<compile_context>
chip_gen: v7x
topology: tpu7x:2x2x1
jax: 0.10.2.dev20260603
libtpu: 0.0.44.dev20260713+nightly
codegen_flags: <defaults>
</compile_context>

<pallas_src>
import functools
import math

import jax
import jax.numpy as jnp
from jax import lax
from jax.experimental import pallas as pl
from jax.experimental.pallas import tpu as pltpu
from jax.experimental.pallas import tpu_sc as plsc

MAX_POS = 8192
HEAD_DIM = 128
BATCH = 4
COLS = (32, 48, 48)
COL_OFF = (0, 32, 80)

NC, NS = 2, 16
NW = NC * NS
ROWS = BATCH * MAX_POS
RPW = ROWS // NW
GCH = 128
NG = RPW // GCH
WPB = MAX_POS // RPW


_R0 = MAX_POS * 32 // 128
_R1 = MAX_POS * 48 // 128
_TGRID = 8
_B0 = _R0 // _TGRID
_B1 = _R1 // _TGRID
_PPS = MAX_POS // _TGRID


_HALF_PI_F = math.pi / 2.0
_NEG_LN_THETA_64 = -math.log(10000.0) / 64.0


def _table_body(ta_ref, tb_ref, tc_ref,
                pa0_s, f2a_s, pha_s, dpb_s, f2b_s, f2c_s, phb_s):
    i = pl.program_id(0)

    @pl.when(i == 0)
    def _():
        r0 = lax.broadcasted_iota(jnp.int32, (_B0, 128), 0)
        la = lax.broadcasted_iota(jnp.int32, (_B0, 128), 1)
        pa0_s[...] = (r0 * 4 + (la >> 5)).astype(jnp.float32)
        l1 = lax.broadcasted_iota(jnp.int32, (1, 128), 1)
        c0 = l1 % 32
        f2a_s[...] = jnp.exp((c0 >> 1).astype(jnp.float32) * _NEG_LN_THETA_64)
        pha_s[...] = (c0 % 2).astype(jnp.float32) * _HALF_PI_F
        rr = lax.broadcasted_iota(jnp.int32, (_B1, 128), 0)
        ll = lax.broadcasted_iota(jnp.int32, (_B1, 128), 1)
        rdiv3 = (rr * 21846) >> 16
        ell = (rr - rdiv3 * 3) * 128 + ll
        d48 = (ell * 1366) >> 16
        c = ell - d48 * 48
        j = c >> 1
        dpb_s[...] = (rdiv3 * 8 + d48).astype(jnp.float32)
        f2b_s[...] = jnp.exp((j + 16).astype(jnp.float32) * _NEG_LN_THETA_64)
        f2c_s[...] = jnp.exp((j + 40).astype(jnp.float32) * _NEG_LN_THETA_64)
        phb_s[...] = (c % 2).astype(jnp.float32) * _HALF_PI_F

    off = (i * _PPS).astype(jnp.float32)
    ta_ref[...] = jnp.cos((pa0_s[...] + off) * f2a_s[...] - pha_s[...])
    pb = dpb_s[...] + off
    tb_ref[...] = jnp.cos(pb * f2b_s[...] - phb_s[...])
    tc_ref[...] = jnp.cos(pb * f2c_s[...] - phb_s[...])


def _build_tables():
    return pl.pallas_call(
        _table_body,
        grid=(_TGRID,),
        out_specs=[
            pl.BlockSpec((_B0, 128), lambda i: (i, 0)),
            pl.BlockSpec((_B1, 128), lambda i: (i, 0)),
            pl.BlockSpec((_B1, 128), lambda i: (i, 0)),
        ],
        out_shape=[
            jax.ShapeDtypeStruct((_R0, 128), jnp.float32),
            jax.ShapeDtypeStruct((_R1, 128), jnp.float32),
            jax.ShapeDtypeStruct((_R1, 128), jnp.float32),
        ],
        scratch_shapes=[
            pltpu.VMEM((_B0, 128), jnp.float32),
            pltpu.VMEM((1, 128), jnp.float32),
            pltpu.VMEM((1, 128), jnp.float32),
            pltpu.VMEM((_B1, 128), jnp.float32),
            pltpu.VMEM((_B1, 128), jnp.float32),
            pltpu.VMEM((_B1, 128), jnp.float32),
            pltpu.VMEM((_B1, 128), jnp.float32),
        ],
    )()


_MESH = plsc.VectorSubcoreMesh(core_axis_name="c", subcore_axis_name="s")


HCH = RPW // 2
NGH = HCH // GCH


@functools.partial(
    pl.kernel,
    mesh=_MESH,
    out_type=jax.ShapeDtypeStruct((BATCH, MAX_POS, HEAD_DIM), jnp.float32),
    scratch_types=[
        pltpu.VMEM((3, NG, GCH), jnp.int32),
        pltpu.VMEM((HCH, 32), jnp.float32),
        pltpu.VMEM((HCH, 32), jnp.float32),
        pltpu.VMEM((HCH, 48), jnp.float32),
        pltpu.VMEM((HCH, 48), jnp.float32),
        pltpu.SemaphoreType.DMA,
        pltpu.SemaphoreType.DMA,
        pltpu.SemaphoreType.DMA,
        pltpu.SemaphoreType.DMA,
        pltpu.SemaphoreType.DMA,
        pltpu.SemaphoreType.DMA,
        pltpu.SemaphoreType.DMA,
        pltpu.SemaphoreType.DMA,
        pltpu.SemaphoreType.DMA,
        pltpu.SemaphoreType.DMA,
    ],
    compiler_params=pltpu.CompilerParams(use_tc_tiling_on_sc=False),
)
def _sc_gather(ta, tb, tc_, ids, out, idx_v, a0, a1, b0, b1,
               g0s, g1s, g2s, g3s, g4s, g5s, s0, s1, s2, s3):
    wid = lax.axis_index("s") * NC + lax.axis_index("c")
    b = wid // WPB
    t0 = (wid % WPB) * RPW
    g0 = (wid % WPB) * NG
    pltpu.sync_copy(ids.at[b, :, pl.ds(g0, NG)], idx_v)
    tables = (ta, tb, tc_)
    bufs = (a0, a1, b0, b1, b0, b1)
    gsems = (g0s, g1s, g2s, g3s, g4s, g5s)
    ssems = (s0, s1, s2, s3, s2, s3)

    def fire(p):
        sec, half = p // 2, p % 2
        buf = bufs[p]
        return [
            pltpu.async_copy(
                tables[sec].at[idx_v.at[sec, half * NGH + j]],
                buf.at[pl.ds(j * GCH, GCH)],
                gsems[p],
            )
            for j in range(NGH)
        ]

    gcps = {p: fire(p) for p in range(4)}
    stores = {}
    for p in range(6):
        sec, half = p // 2, p % 2
        buf = bufs[p]
        for cp in gcps.pop(p):
            cp.wait()
        rowbase = t0 + half * HCH
        stores[p] = pltpu.async_copy(
            buf, out.at[b, pl.ds(rowbase, HCH), pl.ds(COL_OFF[sec], buf.shape[1])],
            ssems[p],
        )
        if p + 2 < 6 and p >= 2:
            stores.pop(p).wait()
            gcps[p + 2] = fire(p + 2)
    for cp in stores.values():
        cp.wait()


_HALF_PI = math.pi / 2.0


def kernel(mrope_position_ids_padding, mrope_position_deltas, inv_freq):
    del inv_freq
    ta_l, tb_l, tc_l = _build_tables()
    ta = ta_l.reshape(MAX_POS, 32)
    tb = tb_l.reshape(MAX_POS, 48)
    tc_ = tc_l.reshape(MAX_POS, 48)
    ids4 = mrope_position_ids_padding.reshape(BATCH, 3, MAX_POS // GCH, GCH)
    out = _sc_gather(ta, tb, tc_, ids4)
    return out.reshape(BATCH, MAX_POS * HEAD_DIM), mrope_position_deltas

# --- scband reference (transcript-rebuilt; emitter-appended) ---
"""Pipeline reference for scband-mrope-only-wrapper-32409823215890 (READ-ONLY COPY).

The authoritative reference and input builder live on the scoring server;
editing this copy changes nothing except your own understanding.
"""

import jax, jax.numpy as jnp
import numpy as np

MAX_POS = 8192
HEAD_DIM = 128
THETA = 10000.0
BATCH = 4
MROPE_SECTION = [16, 24, 24]

def setup_inputs(seed: int = 0):
    key = jax.random.key(seed)
    k1, k2 = jax.random.split(key)
    ids = jax.random.randint(k1, (BATCH, 3, MAX_POS), 0, MAX_POS, dtype=jnp.int32)
    deltas = jax.random.randint(k2, (BATCH, 1), 0, MAX_POS, dtype=jnp.int32)
    inv_freq = (1.0 / (THETA ** (np.arange(0, HEAD_DIM, 2, dtype=np.float32) / HEAD_DIM))).astype(np.float32)
    return {"mrope_position_ids_padding": ids, "mrope_position_deltas": deltas, "inv_freq": jnp.asarray(inv_freq)}

def _mix(x):
    splits = np.cumsum(MROPE_SECTION)[:-1].tolist()
    parts = jnp.split(x, splits, axis=-1)
    return jnp.concatenate([p[:, i % 3] for i, p in enumerate(parts)], axis=-1)

def reference(mrope_position_ids_padding, mrope_position_deltas, inv_freq):
    t = jnp.arange(MAX_POS, dtype=jnp.float32)
    sinusoid = t[:, None] * inv_freq[None, :]
    cos_ori = jnp.cos(sinusoid)
    sin_ori = jnp.sin(sinusoid)
    cos = jnp.take(cos_ori, mrope_position_ids_padding, axis=0)
    sin = jnp.take(sin_ori, mrope_position_ids_padding, axis=0)
    cos_m = _mix(cos)[..., None]
    sin_m = _mix(sin)[..., None]
    cc = jnp.concatenate([cos_m, sin_m], axis=-1)
    cc = cc.reshape(cc.shape[0], -1)
    return (cc, mrope_position_deltas)

if __name__ == "__main__":
    import jax
    _d = setup_inputs()
    print(jax.jit(kernel)(*tuple(_d.values())))

</pallas_src>

<mosaic_0001>
#map = affine_map<(d0, d1) -> (0, 0)>
#map1 = affine_map<(d0, d1) -> (0, 0, 0, 0)>
#map2 = affine_map<(d0, d1) -> (0, 0, 0)>
module attributes {stable_mosaic.version = 14 : i64} {
  func.func @_sc_gather(%arg0: i32, %arg1: i32, %arg2: memref<8192x32xf32, #tpu.memory_space<hbm>>, %arg3: memref<8192x48xf32, #tpu.memory_space<hbm>>, %arg4: memref<8192x48xf32, #tpu.memory_space<hbm>>, %arg5: memref<4x3x64x128xi32, #tpu.memory_space<hbm>>, %arg6: memref<4x8192x128xf32, #tpu.memory_space<hbm>>, %arg7: memref<3x8x128xi32, #tpu.memory_space<vmem>>, %arg8: memref<512x32xf32, #tpu.memory_space<vmem>>, %arg9: memref<512x32xf32, #tpu.memory_space<vmem>>, %arg10: memref<512x48xf32, #tpu.memory_space<vmem>>, %arg11: memref<512x48xf32, #tpu.memory_space<vmem>>, %arg12: memref<!tpu.dma_semaphore, #tpu.memory_space<semaphore_mem>>, %arg13: memref<!tpu.dma_semaphore, #tpu.memory_space<semaphore_mem>>, %arg14: memref<!tpu.dma_semaphore, #tpu.memory_space<semaphore_mem>>, %arg15: memref<!tpu.dma_semaphore, #tpu.memory_space<semaphore_mem>>, %arg16: memref<!tpu.dma_semaphore, #tpu.memory_space<semaphore_mem>>, %arg17: memref<!tpu.dma_semaphore, #tpu.memory_space<semaphore_mem>>, %arg18: memref<!tpu.dma_semaphore, #tpu.memory_space<semaphore_mem>>, %arg19: memref<!tpu.dma_semaphore, #tpu.memory_space<semaphore_mem>>, %arg20: memref<!tpu.dma_semaphore, #tpu.memory_space<semaphore_mem>>, %arg21: memref<!tpu.dma_semaphore, #tpu.memory_space<semaphore_mem>>) attributes {dimension_semantics = [#tpu.dimension_semantics<core_parallel>, #tpu.dimension_semantics<subcore_parallel>], iteration_bounds = array<i64: 2, 16>, scalar_prefetch = 0 : i64, scratch_operands = 15 : i64, tpu.core_type = #tpu.core_type<sc_vector_subcore>, window_params = [{transform_indices = #map}, {transform_indices = #map}, {transform_indices = #map}, {transform_indices = #map1}, {transform_indices = #map2}]} {
    %mul3A = arith.constant 2 : i32
    %mul3A_0 = arith.muli %arg1, %mul3A : i32
    %add3A = arith.addi %mul3A_0, %arg0 : i32
    %jit3A = arith.constant 8 : i32
    %div3A = arith.divsi %add3A, %jit3A : i32
    %sign3A = arith.constant 0 : i32
    %sign3A_1 = arith.cmpi sgt, %add3A, %sign3A : i32
    %sign3A_2 = arith.extui %sign3A_1 : i1 to i32
    %sign3A_3 = arith.constant 0 : i32
    %sign3A_4 = arith.cmpi slt, %add3A, %sign3A_3 : i32
    %sign3A_5 = arith.extui %sign3A_4 : i1 to i32
    %sign3A_6 = arith.subi %sign3A_2, %sign3A_5 : i32
    %sign3A_7 = arith.constant 0 : i32
    %sign3A_8 = arith.cmpi sgt, %jit3A, %sign3A_7 : i32
    %sign3A_9 = arith.extui %sign3A_8 : i1 to i32
    %sign3A_10 = arith.constant 0 : i32
    %sign3A_11 = arith.cmpi slt, %jit3A, %sign3A_10 : i32
    %sign3A_12 = arith.extui %sign3A_11 : i1 to i32
    %sign3A_13 = arith.subi %sign3A_9, %sign3A_12 : i32
    %ne3A = arith.cmpi ne, %sign3A_6, %sign3A_13 : i32
    %rem3A = arith.remsi %add3A, %jit3A : i32
    %ne3A_14 = arith.constant 0 : i32
    %ne3A_15 = arith.cmpi ne, %rem3A, %ne3A_14 : i32
    %and3A = arith.andi %ne3A, %ne3A_15 : i1
    %sub3A = arith.constant 1 : i32
    %sub3A_16 = arith.subi %div3A, %sub3A : i32
    %select_n3A = arith.select %and3A, %sub3A_16, %div3A : i32
    %jit3A_17 = arith.constant 8 : i32
    %eq3A = arith.constant 0 : i32
    %eq3A_18 = arith.cmpi eq, %jit3A_17, %eq3A : i32
    %jit3A_19 = arith.constant 1 : i32
    %select_n3A_20 = arith.select %eq3A_18, %jit3A_19, %jit3A_17 : i32
    %rem3A_21 = arith.remsi %add3A, %select_n3A_20 : i32
    %ne3A_22 = arith.constant 0 : i32
    %ne3A_23 = arith.cmpi ne, %rem3A_21, %ne3A_22 : i32
    %lt3A = arith.constant 0 : i32
    %lt3A_24 = arith.cmpi slt, %rem3A_21, %lt3A : i32
    %lt3A_25 = arith.constant 0 : i32
    %lt3A_26 = arith.cmpi slt, %select_n3A_20, %lt3A_25 : i32
    %ne3A_27 = arith.xori %lt3A_24, %lt3A_26 : i1
    %and3A_28 = arith.andi %ne3A_27, %ne3A_23 : i1
    %add3A_29 = arith.addi %rem3A_21, %select_n3A_20 : i32
    %select_n3A_30 = arith.select %and3A_28, %add3A_29, %rem3A_21 : i32
    %mul3A_31 = arith.constant 1024 : i32
    %mul3A_32 = arith.muli %select_n3A_30, %mul3A_31 : i32
    %jit3A_33 = arith.constant 8 : i32
    %eq3A_34 = arith.constant 0 : i32
    %eq3A_35 = arith.cmpi eq, %jit3A_33, %eq3A_34 : i32
    %jit3A_36 = arith.constant 1 : i32
    %select_n3A_37 = arith.select %eq3A_35, %jit3A_36, %jit3A_33 : i32
    %rem3A_38 = arith.remsi %add3A, %select_n3A_37 : i32
    %ne3A_39 = arith.constant 0 : i32
    %ne3A_40 = arith.cmpi ne, %rem3A_38, %ne3A_39 : i32
    %lt3A_41 = arith.constant 0 : i32
    %lt3A_42 = arith.cmpi slt, %rem3A_38, %lt3A_41 : i32
    %lt3A_43 = arith.constant 0 : i32
    %lt3A_44 = arith.cmpi slt, %select_n3A_37, %lt3A_43 : i32
    %ne3A_45 = arith.xori %lt3A_42, %lt3A_44 : i1
    %and3A_46 = arith.andi %ne3A_45, %ne3A_40 : i1
    %add3A_47 = arith.addi %rem3A_38, %select_n3A_37 : i32
    %select_n3A_48 = arith.select %and3A_46, %add3A_47, %rem3A_38 : i32
    %mul3A_49 = arith.constant 8 : i32
    %mul3A_50 = arith.muli %select_n3A_48, %mul3A_49 : i32
    "tpu.region"() ({
      %run_scoped3A = tpu.sem_alloc : memref<!tpu.dma_semaphore, #tpu.memory_space<semaphore_mem>>
      %dma_start3A_661 = arith.constant 0 : i32
      %dma_start3A_662 = arith.constant 0 : i32
      %dma_start3A_663 = tpu.memref_slice %arg5[%select_n3A, %dma_start3A_661, %mul3A_50, %dma_start3A_662] : memref<4x3x64x128xi32, #tpu.memory_space<hbm>> -> memref<1x3x8x128xi32, #tpu.memory_space<hbm>>
      %dma_start3A_664 = tpu.memref_squeeze %dma_start3A_663 : memref<1x3x8x128xi32, #tpu.memory_space<hbm>> -> memref<3x8x128xi32, #tpu.memory_space<hbm>>
      %dma_start3A_665 = arith.constant 0 : i32
      %dma_start3A_666 = arith.constant 0 : i32
      %dma_start3A_667 = tpu.memref_slice %arg5[%select_n3A, %dma_start3A_665, %mul3A_50, %dma_start3A_666] : memref<4x3x64x128xi32, #tpu.memory_space<hbm>> -> memref<1x3x8x128xi32, #tpu.memory_space<hbm>>
      %dma_start3A_668 = tpu.memref_squeeze %dma_start3A_667 : memref<1x3x8x128xi32, #tpu.memory_space<hbm>> -> memref<3x8x128xi32, #tpu.memory_space<hbm>>
      tpu.enqueue_dma source(%dma_start3A_668 : memref<3x8x128xi32, #tpu.memory_space<hbm>>) target(%arg7 : memref<3x8x128xi32, #tpu.memory_space<vmem>>) target_semaphore(%run_scoped3A : memref<!tpu.dma_semaphore, #tpu.memory_space<semaphore_mem>>)
      %dma_wait3A_669 = arith.constant 0 : i32
      %dma_wait3A_670 = arith.constant 0 : i32
      %dma_wait3A_671 = tpu.memref_slice %arg5[%select_n3A, %dma_wait3A_669, %mul3A_50, %dma_wait3A_670] : memref<4x3x64x128xi32, #tpu.memory_space<hbm>> -> memref<1x3x8x128xi32, #tpu.memory_space<hbm>>
      %dma_wait3A_672 = tpu.memref_squeeze %dma_wait3A_671 : memref<1x3x8x128xi32, #tpu.memory_space<hbm>> -> memref<3x8x128xi32, #tpu.memory_space<hbm>>
      %dma_wait3A_673 = arith.constant 0 : i32
      %dma_wait3A_674 = arith.constant 0 : i32
      %dma_wait3A_675 = tpu.memref_slice %arg5[%select_n3A, %dma_wait3A_673, %mul3A_50, %dma_wait3A_674] : memref<4x3x64x128xi32, #tpu.memory_space<hbm>> -> memref<1x3x8x128xi32, #tpu.memory_space<hbm>>
      %dma_wait3A_676 = tpu.memref_squeeze %dma_wait3A_675 : memref<1x3x8x128xi32, #tpu.memory_space<hbm>> -> memref<3x8x128xi32, #tpu.memory_space<hbm>>
      tpu.wait_dma2 semaphore(%run_scoped3A : memref<!tpu.dma_semaphore, #tpu.memory_space<semaphore_mem>>) src(%dma_wait3A_676 : memref<3x8x128xi32, #tpu.memory_space<hbm>>) dst(%arg7 : memref<3x8x128xi32, #tpu.memory_space<vmem>>)
      tpu.yield
    }) : () -> ()
    %dma_start3A = arith.constant 0 : i32
    %dma_start3A_51 = arith.constant 0 : i32
    %dma_start3A_52 = arith.constant 0 : i32
    %dma_start3A_53 = arith.constant 0 : i32
    %dma_start3A_54 = tpu.memref_slice %arg8[%dma_start3A_52, %dma_start3A_53] : memref<512x32xf32, #tpu.memory_space<vmem>> -> memref<128x32xf32, #tpu.memory_space<vmem>>
    %dma_start3A_55 = arith.constant 0 : i32
    %dma_start3A_56 = tpu.memref_slice %arg7[%dma_start3A, %dma_start3A_51, %dma_start3A_55] : memref<3x8x128xi32, #tpu.memory_space<vmem>> -> memref<1x1x128xi32, #tpu.memory_space<vmem>>
    %dma_start3A_57 = tpu.memref_squeeze %dma_start3A_56 : memref<1x1x128xi32, #tpu.memory_space<vmem>> -> memref<128xi32, #tpu.memory_space<vmem>>
    %dma_start3A_58 = arith.constant 0 : i32
    %dma_start3A_59 = arith.constant 0 : i32
    %dma_start3A_60 = tpu.memref_slice %arg2[%dma_start3A_58, %dma_start3A_59] : memref<8192x32xf32, #tpu.memory_space<hbm>> -> memref<8192x32xf32, #tpu.memory_space<hbm>>
    tpu.enqueue_indirect_dma source(%dma_start3A_60 : memref<8192x32xf32, #tpu.memory_space<hbm>>) target(%dma_start3A_54 : memref<128x32xf32, #tpu.memory_space<vmem>>) offsets(%dma_start3A_57 : memref<128xi32, #tpu.memory_space<vmem>>) semaphore(%arg12 : memref<!tpu.dma_semaphore, #tpu.memory_space<semaphore_mem>>)
    %dma_start3A_61 = arith.constant 0 : i32
    %dma_start3A_62 = arith.constant 1 : i32
    %dma_start3A_63 = arith.constant 128 : i32
    %dma_start3A_64 = arith.constant 0 : i32
    %dma_start3A_65 = tpu.memref_slice %arg8[%dma_start3A_63, %dma_start3A_64] : memref<512x32xf32, #tpu.memory_space<vmem>> -> memref<128x32xf32, #tpu.memory_space<vmem>>
    %dma_start3A_66 = arith.constant 0 : i32
    %dma_start3A_67 = tpu.memref_slice %arg7[%dma_start3A_61, %dma_start3A_62, %dma_start3A_66] : memref<3x8x128xi32, #tpu.memory_space<vmem>> -> memref<1x1x128xi32, #tpu.memory_space<vmem>>
    %dma_start3A_68 = tpu.memref_squeeze %dma_start3A_67 : memref<1x1x128xi32, #tpu.memory_space<vmem>> -> memref<128xi32, #tpu.memory_space<vmem>>
    %dma_start3A_69 = arith.constant 0 : i32
    %dma_start3A_70 = arith.constant 0 : i32
    %dma_start3A_71 = tpu.memref_slice %arg2[%dma_start3A_69, %dma_start3A_70] : memref<8192x32xf32, #tpu.memory_space<hbm>> -> memref<8192x32xf32, #tpu.memory_space<hbm>>
    tpu.enqueue_indirect_dma source(%dma_start3A_71 : memref<8192x32xf32, #tpu.memory_space<hbm>>) target(%dma_start3A_65 : memref<128x32xf32, #tpu.memory_space<vmem>>) offsets(%dma_start3A_68 : memref<128xi32, #tpu.memory_space<vmem>>) semaphore(%arg12 : memref<!tpu.dma_semaphore, #tpu.memory_space<semaphore_mem>>)
    %dma_start3A_72 = arith.constant 0 : i32
    %dma_start3A_73 = arith.constant 2 : i32
    %dma_start3A_74 = arith.constant 256 : i32
    %dma_start3A_75 = arith.constant 0 : i32
    %dma_start3A_76 = tpu.memref_slice %arg8[%dma_start3A_74, %dma_start3A_75] : memref<512x32xf32, #tpu.memory_space<vmem>> -> memref<128x32xf32, #tpu.memory_space<vmem>>
    %dma_start3A_77 = arith.constant 0 : i32
    %dma_start3A_78 = tpu.memref_slice %arg7[%dma_start3A_72, %dma_start3A_73, %dma_start3A_77] : memref<3x8x128xi32, #tpu.memory_space<vmem>> -> memref<1x1x128xi32, #tpu.memory_space<vmem>>
    %dma_start3A_79 = tpu.memref_squeeze %dma_start3A_78 : memref<1x1x128xi32, #tpu.memory_space<vmem>> -> memref<128xi32, #tpu.memory_space<vmem>>
    %dma_start3A_80 = arith.constant 0 : i32
    %dma_start3A_81 = arith.constant 0 : i32
    %dma_start3A_82 = tpu.memref_slice %arg2[%dma_start3A_80, %dma_start3A_81] : memref<8192x32xf32, #tpu.memory_space<hbm>> -> memref<8192x32xf32, #tpu.memory_space<hbm>>
    tpu.enqueue_indirect_dma source(%dma_start3A_82 : memref<8192x32xf32, #tpu.memory_space<hbm>>) target(%dma_start3A_76 : memref<128x32xf32, #tpu.memory_space<vmem>>) offsets(%dma_start3A_79 : memref<128xi32, #tpu.memory_space<vmem>>) semaphore(%arg12 : memref<!tpu.dma_semaphore, #tpu.memory_space<semaphore_mem>>)
    %dma_start3A_83 = arith.constant 0 : i32
    %dma_start3A_84 = arith.constant 3 : i32
    %dma_start3A_85 = arith.constant 384 : i32
    %dma_start3A_86 = arith.constant 0 : i32
    %dma_start3A_87 = tpu.memref_slice %arg8[%dma_start3A_85, %dma_start3A_86] : memref<512x32xf32, #tpu.memory_space<vmem>> -> memref<128x32xf32, #tpu.memory_space<vmem>>
    %dma_start3A_88 = arith.constant 0 : i32
    %dma_start3A_89 = tpu.memref_slice %arg7[%dma_start3A_83, %dma_start3A_84, %dma_start3A_88] : memref<3x8x128xi32, #tpu.memory_space<vmem>> -> memref<1x1x128xi32, #tpu.memory_space<vmem>>
    %dma_start3A_90 = tpu.memref_squeeze %dma_start3A_89 : memref<1x1x128xi32, #tpu.memory_space<vmem>> -> memref<128xi32, #tpu.memory_space<vmem>>
    %dma_start3A_91 = arith.constant 0 : i32
    %dma_start3A_92 = arith.constant 0 : i32
    %dma_start3A_93 = tpu.memref_slice %arg2[%dma_start3A_91, %dma_start3A_92] : memref<8192x32xf32, #tpu.memory_space<hbm>> -> memref<8192x32xf32, #tpu.memory_space<hbm>>
    tpu.enqueue_indirect_dma source(%dma_start3A_93 : memref<8192x32xf32, #tpu.memory_space<hbm>>) target(%dma_start3A_87 : memref<128x32xf32, #tpu.memory_space<vmem>>) offsets(%dma_start3A_90 : memref<128xi32, #tpu.memory_space<vmem>>) semaphore(%arg12 : memref<!tpu.dma_semaphore, #tpu.memory_space<semaphore_mem>>)
    %dma_start3A_94 = arith.constant 0 : i32
    %dma_start3A_95 = arith.constant 4 : i32
    %dma_start3A_96 = arith.constant 0 : i32
    %dma_start3A_97 = arith.constant 0 : i32
    %dma_start3A_98 = tpu.memref_slice %arg9[%dma_start3A_96, %dma_start3A_97] : memref<512x32xf32, #tpu.memory_space<vmem>> -> memref<128x32xf32, #tpu.memory_space<vmem>>
    %dma_start3A_99 = arith.constant 0 : i32
    %dma_start3A_100 = tpu.memref_slice %arg7[%dma_start3A_94, %dma_start3A_95, %dma_start3A_99] : memref<3x8x128xi32, #tpu.memory_space<vmem>> -> memref<1x1x128xi32, #tpu.memory_space<vmem>>
    %dma_start3A_101 = tpu.memref_squeeze %dma_start3A_100 : memref<1x1x128xi32, #tpu.memory_space<vmem>> -> memref<128xi32, #tpu.memory_space<vmem>>
    %dma_start3A_102 = arith.constant 0 : i32
    %dma_start3A_103 = arith.constant 0 : i32
    %dma_start3A_104 = tpu.memref_slice %arg2[%dma_start3A_102, %dma_start3A_103] : memref<8192x32xf32, #tpu.memory_space<hbm>> -> memref<8192x32xf32, #tpu.memory_space<hbm>>
    tpu.enqueue_indirect_dma source(%dma_start3A_104 : memref<8192x32xf32, #tpu.memory_space<hbm>>) target(%dma_start3A_98 : memref<128x32xf32, #tpu.memory_space<vmem>>) offsets(%dma_start3A_101 : memref<128xi32, #tpu.memory_space<vmem>>) semaphore(%arg13 : memref<!tpu.dma_semaphore, #tpu.memory_space<semaphore_mem>>)
    %dma_start3A_105 = arith.constant 0 : i32
    %dma_start3A_106 = arith.constant 5 : i32
    %dma_start3A_107 = arith.constant 128 : i32
    %dma_start3A_108 = arith.constant 0 : i32
    %dma_start3A_109 = tpu.memref_slice %arg9[%dma_start3A_107, %dma_start3A_108] : memref<512x32xf32, #tpu.memory_space<vmem>> -> memref<128x32xf32, #tpu.memory_space<vmem>>
    %dma_start3A_110 = arith.constant 0 : i32
    %dma_start3A_111 = tpu.memref_slice %arg7[%dma_start3A_105, %dma_start3A_106, %dma_start3A_110] : memref<3x8x128xi32, #tpu.memory_space<vmem>> -> memref<1x1x128xi32, #tpu.memory_space<vmem>>
    %dma_start3A_112 = tpu.memref_squeeze %dma_start3A_111 : memref<1x1x128xi32, #tpu.memory_space<vmem>> -> memref<128xi32, #tpu.memory_space<vmem>>
    %dma_start3A_113 = arith.constant 0 : i32
    %dma_start3A_114 = arith.constant 0 : i32
    %dma_start3A_115 = tpu.memref_slice %arg2[%dma_start3A_113, %dma_start3A_114] : memref<8192x32xf32, #tpu.memory_space<hbm>> -> memref<8192x32xf32, #tpu.memory_space<hbm>>
    tpu.enqueue_indirect_dma source(%dma_start3A_115 : memref<8192x32xf32, #tpu.memory_space<hbm>>) target(%dma_start3A_109 : memref<128x32xf32, #tpu.memory_space<vmem>>) offsets(%dma_start3A_112 : memref<128xi32, #tpu.memory_space<vmem>>) semaphore(%arg13 : memref<!tpu.dma_semaphore, #tpu.memory_space<semaphore_mem>>)
    %dma_start3A_116 = arith.constant 0 : i32
    %dma_start3A_117 = arith.constant 6 : i32
    %dma_start3A_118 = arith.constant 256 : i32
    %dma_start3A_119 = arith.constant 0 : i32
    %dma_start3A_120 = tpu.memref_slice %arg9[%dma_start3A_118, %dma_start3A_119] : memref<512x32xf32, #tpu.memory_space<vmem>> -> memref<128x32xf32, #tpu.memory_space<vmem>>
    %dma_start3A_121 = arith.constant 0 : i32
    %dma_start3A_122 = tpu.memref_slice %arg7[%dma_start3A_116, %dma_start3A_117, %dma_start3A_121] : memref<3x8x128xi32, #tpu.memory_space<vmem>> -> memref<1x1x128xi32, #tpu.memory_space<vmem>>
    %dma_start3A_123 = tpu.memref_squeeze %dma_start3A_122 : memref<1x1x128xi32, #tpu.memory_space<vmem>> -> memref<128xi32, #tpu.memory_space<vmem>>
    %dma_start3A_124 = arith.constant 0 : i32
    %dma_start3A_125 = arith.constant 0 : i32
    %dma_start3A_126 = tpu.memref_slice %arg2[%dma_start3A_124, %dma_start3A_125] : memref<8192x32xf32, #tpu.memory_space<hbm>> -> memref<8192x32xf32, #tpu.memory_space<hbm>>
    tpu.enqueue_indirect_dma source(%dma_start3A_126 : memref<8192x32xf32, #tpu.memory_space<hbm>>) target(%dma_start3A_120 : memref<128x32xf32, #tpu.memory_space<vmem>>) offsets(%dma_start3A_123 : memref<128xi32, #tpu.memory_space<vmem>>) semaphore(%arg13 : memref<!tpu.dma_semaphore, #tpu.memory_space<semaphore_mem>>)
    %dma_start3A_127 = arith.constant 0 : i32
    %dma_start3A_128 = arith.constant 7 : i32
    %dma_start3A_129 = arith.constant 384 : i32
    %dma_start3A_130 = arith.constant 0 : i32
    %dma_start3A_131 = tpu.memref_slice %arg9[%dma_start3A_129, %dma_start3A_130] : memref<512x32xf32, #tpu.memory_space<vmem>> -> memref<128x32xf32, #tpu.memory_space<vmem>>
    %dma_start3A_132 = arith.constant 0 : i32
    %dma_start3A_133 = tpu.memref_slice %arg7[%dma_start3A_127, %dma_start3A_128, %dma_start3A_132] : memref<3x8x128xi32, #tpu.memory_space<vmem>> -> memref<1x1x128xi32, #tpu.memory_space<vmem>>
    %dma_start3A_134 = tpu.memref_squeeze %dma_start3A_133 : memref<1x1x128xi32, #tpu.memory_space<vmem>> -> memref<128xi32, #tpu.memory_space<vmem>>
    %dma_start3A_135 = arith.constant 0 : i32
    %dma_start3A_136 = arith.constant 0 : i32
    %dma_start3A_137 = tpu.memref_slice %arg2[%dma_start3A_135, %dma_start3A_136] : memref<8192x32xf32, #tpu.memory_space<hbm>> -> memref<8192x32xf32, #tpu.memory_space<hbm>>
    tpu.enqueue_indirect_dma source(%dma_start3A_137 : memref<8192x32xf32, #tpu.memory_space<hbm>>) target(%dma_start3A_131 : memref<128x32xf32, #tpu.memory_space<vmem>>) offsets(%dma_start3A_134 : memref<128xi32, #tpu.memory_space<vmem>>) semaphore(%arg13 : memref<!tpu.dma_semaphore, #tpu.memory_space<semaphore_mem>>)
    %dma_start3A_138 = arith.constant 1 : i32
    %dma_start3A_139 = arith.constant 0 : i32
    %dma_start3A_140 = arith.constant 0 : i32
    %dma_start3A_141 = arith.constant 0 : i32
    %dma_start3A_142 = tpu.memref_slice %arg10[%dma_start3A_140, %dma_start3A_141] : memref<512x48xf32, #tpu.memory_space<vmem>> -> memref<128x48xf32, #tpu.memory_space<vmem>>
    %dma_start3A_143 = arith.constant 0 : i32
    %dma_start3A_144 = tpu.memref_slice %arg7[%dma_start3A_138, %dma_start3A_139, %dma_start3A_143] : memref<3x8x128xi32, #tpu.memory_space<vmem>> -> memref<1x1x128xi32, #tpu.memory_space<vmem>>
    %dma_start3A_145 = tpu.memref_squeeze %dma_start3A_144 : memref<1x1x128xi32, #tpu.memory_space<vmem>> -> memref<128xi32, #tpu.memory_space<vmem>>
    %dma_start3A_146 = arith.constant 0 : i32
    %dma_start3A_147 = arith.constant 0 : i32
    %dma_start3A_148 = tpu.memref_slice %arg3[%dma_start3A_146, %dma_start3A_147] : memref<8192x48xf32, #tpu.memory_space<hbm>> -> memref<8192x48xf32, #tpu.memory_space<hbm>>
    tpu.enqueue_indirect_dma source(%dma_start3A_148 : memref<8192x48xf32, #tpu.memory_space<hbm>>) target(%dma_start3A_142 : memref<128x48xf32, #tpu.memory_space<vmem>>) offsets(%dma_start3A_145 : memref<128xi32, #tpu.memory_space<vmem>>) semaphore(%arg14 : memref<!tpu.dma_semaphore, #tpu.memory_space<semaphore_mem>>)
    %dma_start3A_149 = arith.constant 1 : i32
    %dma_start3A_150 = arith.constant 1 : i32
    %dma_start3A_151 = arith.constant 128 : i32
    %dma_start3A_152 = arith.constant 0 : i32
    %dma_start3A_153 = tpu.memref_slice %arg10[%dma_start3A_151, %dma_start3A_152] : memref<512x48xf32, #tpu.memory_space<vmem>> -> memref<128x48xf32, #tpu.memory_space<vmem>>
    %dma_start3A_154 = arith.constant 0 : i32
    %dma_start3A_155 = tpu.memref_slice %arg7[%dma_start3A_149, %dma_start3A_150, %dma_start3A_154] : memref<3x8x128xi32, #tpu.memory_space<vmem>> -> memref<1x1x128xi32, #tpu.memory_space<vmem>>
    %dma_start3A_156 = tpu.memref_squeeze %dma_start3A_155 : memref<1x1x128xi32, #tpu.memory_space<vmem>> -> memref<128xi32, #tpu.memory_space<vmem>>
    %dma_start3A_157 = arith.constant 0 : i32
    %dma_start3A_158 = arith.constant 0 : i32
    %dma_start3A_159 = tpu.memref_slice %arg3[%dma_start3A_157, %dma_start3A_158] : memref<8192x48xf32, #tpu.memory_space<hbm>> -> memref<8192x48xf32, #tpu.memory_space<hbm>>
    tpu.enqueue_indirect_dma source(%dma_start3A_159 : memref<8192x48xf32, #tpu.memory_space<hbm>>) target(%dma_start3A_153 : memref<128x48xf32, #tpu.memory_space<vmem>>) offsets(%dma_start3A_156 : memref<128xi32, #tpu.memory_space<vmem>>) semaphore(%arg14 : memref<!tpu.dma_semaphore, #tpu.memory_space<semaphore_mem>>)
    %dma_start3A_160 = arith.constant 1 : i32
    %dma_start3A_161 = arith.constant 2 : i32
    %dma_start3A_162 = arith.constant 256 : i32
    %dma_start3A_163 = arith.constant 0 : i32
    %dma_start3A_164 = tpu.memref_slice %arg10[%dma_start3A_162, %dma_start3A_163] : memref<512x48xf32, #tpu.memory_space<vmem>> -> memref<128x48xf32, #tpu.memory_space<vmem>>
    %dma_start3A_165 = arith.constant 0 : i32
    %dma_start3A_166 = tpu.memref_slice %arg7[%dma_start3A_160, %dma_start3A_161, %dma_start3A_165] : memref<3x8x128xi32, #tpu.memory_space<vmem>> -> memref<1x1x128xi32, #tpu.memory_space<vmem>>
    %dma_start3A_167 = tpu.memref_squeeze %dma_start3A_166 : memref<1x1x128xi32, #tpu.memory_space<vmem>> -> memref<128xi32, #tpu.memory_space<vmem>>
    %dma_start3A_168 = arith.constant 0 : i32
    %dma_start3A_169 = arith.constant 0 : i32
    %dma_start3A_170 = tpu.memref_slice %arg3[%dma_start3A_168, %dma_start3A_169] : memref<8192x48xf32, #tpu.memory_space<hbm>> -> memref<8192x48xf32, #tpu.memory_space<hbm>>
    tpu.enqueue_indirect_dma source(%dma_start3A_170 : memref<8192x48xf32, #tpu.memory_space<hbm>>) target(%dma_start3A_164 : memref<128x48xf32, #tpu.memory_space<vmem>>) offsets(%dma_start3A_167 : memref<128xi32, #tpu.memory_space<vmem>>) semaphore(%arg14 : memref<!tpu.dma_semaphore, #tpu.memory_space<semaphore_mem>>)
    %dma_start3A_171 = arith.constant 1 : i32
    %dma_start3A_172 = arith.constant 3 : i32
    %dma_start3A_173 = arith.constant 384 : i32
    %dma_start3A_174 = arith.constant 0 : i32
    %dma_start3A_175 = tpu.memref_slice %arg10[%dma_start3A_173, %dma_start3A_174] : memref<512x48xf32, #tpu.memory_space<vmem>> -> memref<128x48xf32, #tpu.memory_space<vmem>>
    %dma_start3A_176 = arith.constant 0 : i32
    %dma_start3A_177 = tpu.memref_slice %arg7[%dma_start3A_171, %dma_start3A_172, %dma_start3A_176] : memref<3x8x128xi32, #tpu.memory_space<vmem>> -> memref<1x1x128xi32, #tpu.memory_space<vmem>>
    %dma_start3A_178 = tpu.memref_squeeze %dma_start3A_177 : memref<1x1x128xi32, #tpu.memory_space<vmem>> -> memref<128xi32, #tpu.memory_space<vmem>>
    %dma_start3A_179 = arith.constant 0 : i32
    %dma_start3A_180 = arith.constant 0 : i32
    %dma_start3A_181 = tpu.memref_slice %arg3[%dma_start3A_179, %dma_start3A_180] : memref<8192x48xf32, #tpu.memory_space<hbm>> -> memref<8192x48xf32, #tpu.memory_space<hbm>>
    tpu.enqueue_indirect_dma source(%dma_start3A_181 : memref<8192x48xf32, #tpu.memory_space<hbm>>) target(%dma_start3A_175 : memref<128x48xf32, #tpu.memory_space<vmem>>) offsets(%dma_start3A_178 : memref<128xi32, #tpu.memory_space<vmem>>) semaphore(%arg14 : memref<!tpu.dma_semaphore, #tpu.memory_space<semaphore_mem>>)
    %dma_start3A_182 = arith.constant 1 : i32
    %dma_start3A_183 = arith.constant 4 : i32
    %dma_start3A_184 = arith.constant 0 : i32
    %dma_start3A_185 = arith.constant 0 : i32
    %dma_start3A_186 = tpu.memref_slice %arg11[%dma_start3A_184, %dma_start3A_185] : memref<512x48xf32, #tpu.memory_space<vmem>> -> memref<128x48xf32, #tpu.memory_space<vmem>>
    %dma_start3A_187 = arith.constant 0 : i32
    %dma_start3A_188 = tpu.memref_slice %arg7[%dma_start3A_182, %dma_start3A_183, %dma_start3A_187] : memref<3x8x128xi32, #tpu.memory_space<vmem>> -> memref<1x1x128xi32, #tpu.memory_space<vmem>>
    %dma_start3A_189 = tpu.memref_squeeze %dma_start3A_188 : memref<1x1x128xi32, #tpu.memory_space<vmem>> -> memref<128xi32, #tpu.memory_space<vmem>>
    %dma_start3A_190 = arith.constant 0 : i32
    %dma_start3A_191 = arith.constant 0 : i32
    %dma_start3A_192 = tpu.memref_slice %arg3[%dma_start3A_190, %dma_start3A_191] : memref<8192x48xf32, #tpu.memory_space<hbm>> -> memref<8192x48xf32, #tpu.memory_space<hbm>>
    tpu.enqueue_indirect_dma source(%dma_start3A_192 : memref<8192x48xf32, #tpu.memory_space<hbm>>) target(%dma_start3A_186 : memref<128x48xf32, #tpu.memory_space<vmem>>) offsets(%dma_start3A_189 : memref<128xi32, #tpu.memory_space<vmem>>) semaphore(%arg15 : memref<!tpu.dma_semaphore, #tpu.memory_space<semaphore_mem>>)
    %dma_start3A_193 = arith.constant 1 : i32
    %dma_start3A_194 = arith.constant 5 : i32
    %dma_start3A_195 = arith.constant 128 : i32
    %dma_start3A_196 = arith.constant 0 : i32
    %dma_start3A_197 = tpu.memref_slice %arg11[%dma_start3A_195, %dma_start3A_196] : memref<512x48xf32, #tpu.memory_space<vmem>> -> memref<128x48xf32, #tpu.memory_space<vmem>>
    %dma_start3A_198 = arith.constant 0 : i32
    %dma_start3A_199 = tpu.memref_slice %arg7[%dma_start3A_193, %dma_start3A_194, %dma_start3A_198] : memref<3x8x128xi32, #tpu.memory_space<vmem>> -> memref<1x1x128xi32, #tpu.memory_space<vmem>>
    %dma_start3A_200 = tpu.memref_squeeze %dma_start3A_199 : memref<1x1x128xi32, #tpu.memory_space<vmem>> -> memref<128xi32, #tpu.memory_space<vmem>>
    %dma_start3A_201 = arith.constant 0 : i32
    %dma_start3A_202 = arith.constant 0 : i32
    %dma_start3A_203 = tpu.memref_slice %arg3[%dma_start3A_201, %dma_start3A_202] : memref<8192x48xf32, #tpu.memory_space<hbm>> -> memref<8192x48xf32, #tpu.memory_space<hbm>>
    tpu.enqueue_indirect_dma source(%dma_start3A_203 : memref<8192x48xf32, #tpu.memory_space<hbm>>) target(%dma_start3A_197 : memref<128x48xf32, #tpu.memory_space<vmem>>) offsets(%dma_start3A_200 : memref<128xi32, #tpu.memory_space<vmem>>) semaphore(%arg15 : memref<!tpu.dma_semaphore, #tpu.memory_space<semaphore_mem>>)
    %dma_start3A_204 = arith.constant 1 : i32
    %dma_start3A_205 = arith.constant 6 : i32
    %dma_start3A_206 = arith.constant 256 : i32
    %dma_start3A_207 = arith.constant 0 : i32
    %dma_start3A_208 = tpu.memref_slice %arg11[%dma_start3A_206, %dma_start3A_207] : memref<512x48xf32, #tpu.memory_space<vmem>> -> memref<128x48xf32, #tpu.memory_space<vmem>>
    %dma_start3A_209 = arith.constant 0 : i32
    %dma_start3A_210 = tpu.memref_slice %arg7[%dma_start3A_204, %dma_start3A_205, %dma_start3A_209] : memref<3x8x128xi32, #tpu.memory_space<vmem>> -> memref<1x1x128xi32, #tpu.memory_space<vmem>>
    %dma_start3A_211 = tpu.memref_squeeze %dma_start3A_210 : memref<1x1x128xi32, #tpu.memory_space<vmem>> -> memref<128xi32, #tpu.memory_space<vmem>>
    %dma_start3A_212 = arith.constant 0 : i32
    %dma_start3A_213 = arith.constant 0 : i32
    %dma_start3A_214 = tpu.memref_slice %arg3[%dma_start3A_212, %dma_start3A_213] : memref<8192x48xf32, #tpu.memory_space<hbm>> -> memref<8192x48xf32, #tpu.memory_space<hbm>>
    tpu.enqueue_indirect_dma source(%dma_start3A_214 : memref<8192x48xf32, #tpu.memory_space<hbm>>) target(%dma_start3A_208 : memref<128x48xf32, #tpu.memory_space<vmem>>) offsets(%dma_start3A_211 : memref<128xi32, #tpu.memory_space<vmem>>) semaphore(%arg15 : memref<!tpu.dma_semaphore, #tpu.memory_space<semaphore_mem>>)
    %dma_start3A_215 = arith.constant 1 : i32
    %dma_start3A_216 = arith.constant 7 : i32
    %dma_start3A_217 = arith.constant 384 : i32
    %dma_start3A_218 = arith.constant 0 : i32
    %dma_start3A_219 = tpu.memref_slice %arg11[%dma_start3A_217, %dma_start3A_218] : memref<512x48xf32, #tpu.memory_space<vmem>> -> memref<128x48xf32, #tpu.memory_space<vmem>>
    %dma_start3A_220 = arith.constant 0 : i32
    %dma_start3A_221 = tpu.memref_slice %arg7[%dma_start3A_215, %dma_start3A_216, %dma_start3A_220] : memref<3x8x128xi32, #tpu.memory_space<vmem>> -> memref<1x1x128xi32, #tpu.memory_space<vmem>>
    %dma_start3A_222 = tpu.memref_squeeze %dma_start3A_221 : memref<1x1x128xi32, #tpu.memory_space<vmem>> -> memref<128xi32, #tpu.memory_space<vmem>>
    %dma_start3A_223 = arith.constant 0 : i32
    %dma_start3A_224 = arith.constant 0 : i32
    %dma_start3A_225 = tpu.memref_slice %arg3[%dma_start3A_223, %dma_start3A_224] : memref<8192x48xf32, #tpu.memory_space<hbm>> -> memref<8192x48xf32, #tpu.memory_space<hbm>>
    tpu.enqueue_indirect_dma source(%dma_start3A_225 : memref<8192x48xf32, #tpu.memory_space<hbm>>) target(%dma_start3A_219 : memref<128x48xf32, #tpu.memory_space<vmem>>) offsets(%dma_start3A_222 : memref<128xi32, #tpu.memory_space<vmem>>) semaphore(%arg15 : memref<!tpu.dma_semaphore, #tpu.memory_space<semaphore_mem>>)
    %dma_wait3A = arith.constant 0 : i32
    %dma_wait3A_226 = arith.constant 0 : i32
    %dma_wait3A_227 = arith.constant 0 : i32
    %dma_wait3A_228 = arith.constant 0 : i32
    %dma_wait3A_229 = tpu.memref_slice %arg8[%dma_wait3A_227, %dma_wait3A_228] : memref<512x32xf32, #tpu.memory_space<vmem>> -> memref<128x32xf32, #tpu.memory_space<vmem>>
    %dma_wait3A_230 = arith.constant 0 : i32
    %dma_wait3A_231 = tpu.memref_slice %arg7[%dma_wait3A, %dma_wait3A_226, %dma_wait3A_230] : memref<3x8x128xi32, #tpu.memory_space<vmem>> -> memref<1x1x128xi32, #tpu.memory_space<vmem>>
    %dma_wait3A_232 = tpu.memref_squeeze %dma_wait3A_231 : memref<1x1x128xi32, #tpu.memory_space<vmem>> -> memref<128xi32, #tpu.memory_space<vmem>>
    %dma_wait3A_233 = arith.constant 0 : i32
    %dma_wait3A_234 = arith.constant 0 : i32
    %dma_wait3A_235 = tpu.memref_slice %arg2[%dma_wait3A_233, %dma_wait3A_234] : memref<8192x32xf32, #tpu.memory_space<hbm>> -> memref<8192x32xf32, #tpu.memory_space<hbm>>
    tpu.wait_indirect_dma semaphore(%arg12 : memref<!tpu.dma_semaphore, #tpu.memory_space<semaphore_mem>>) src(%dma_wait3A_235 : memref<8192x32xf32, #tpu.memory_space<hbm>>) dst(%dma_wait3A_229 : memref<128x32xf32, #tpu.memory_space<vmem>>)
    %dma_wait3A_236 = arith.constant 0 : i32
    %dma_wait3A_237 = arith.constant 1 : i32
    %dma_wait3A_238 = arith.constant 128 : i32
    %dma_wait3A_239 = arith.constant 0 : i32
    %dma_wait3A_240 = tpu.memref_slice %arg8[%dma_wait3A_238, %dma_wait3A_239] : memref<512x32xf32, #tpu.memory_space<vmem>> -> memref<128x32xf32, #tpu.memory_space<vmem>>
    %dma_wait3A_241 = arith.constant 0 : i32
    %dma_wait3A_242 = tpu.memref_slice %arg7[%dma_wait3A_236, %dma_wait3A_237, %dma_wait3A_241] : memref<3x8x128xi32, #tpu.memory_space<vmem>> -> memref<1x1x128xi32, #tpu.memory_space<vmem>>
    %dma_wait3A_243 = tpu.memref_squeeze %dma_wait3A_242 : memref<1x1x128xi32, #tpu.memory_space<vmem>> -> memref<128xi32, #tpu.memory_space<vmem>>
    %dma_wait3A_244 = arith.constant 0 : i32
    %dma_wait3A_245 = arith.constant 0 : i32
    %dma_wait3A_246 = tpu.memref_slice %arg2[%dma_wait3A_244, %dma_wait3A_245] : memref<8192x32xf32, #tpu.memory_space<hbm>> -> memref<8192x32xf32, #tpu.memory_space<hbm>>
    tpu.wait_indirect_dma semaphore(%arg12 : memref<!tpu.dma_semaphore, #tpu.memory_space<semaphore_mem>>) src(%dma_wait3A_246 : memref<8192x32xf32, #tpu.memory_space<hbm>>) dst(%dma_wait3A_240 : memref<128x32xf32, #tpu.memory_space<vmem>>)
    %dma_wait3A_247 = arith.constant 0 : i32
    %dma_wait3A_248 = arith.constant 2 : i32
    %dma_wait3A_249 = arith.constant 256 : i32
    %dma_wait3A_250 = arith.constant 0 : i32
    %dma_wait3A_251 = tpu.memref_slice %arg8[%dma_wait3A_249, %dma_wait3A_250] : memref<512x32xf32, #tpu.memory_space<vmem>> -> memref<128x32xf32, #tpu.memory_space<vmem>>
    %dma_wait3A_252 = arith.constant 0 : i32
    %dma_wait3A_253 = tpu.memref_slice %arg7[%dma_wait3A_247, %dma_wait3A_248, %dma_wait3A_252] : memref<3x8x128xi32, #tpu.memory_space<vmem>> -> memref<1x1x128xi32, #tpu.memory_space<vmem>>
    %dma_wait3A_254 = tpu.memref_squeeze %dma_wait3A_253 : memref<1x1x128xi32, #tpu.memory_space<vmem>> -> memref<128xi32, #tpu.memory_space<vmem>>
    %dma_wait3A_255 = arith.constant 0 : i32
    %dma_wait3A_256 = arith.constant 0 : i32
    %dma_wait3A_257 = tpu.memref_slice %arg2[%dma_wait3A_255, %dma_wait3A_256] : memref<8192x32xf32, #tpu.memory_space<hbm>> -> memref<8192x32xf32, #tpu.memory_space<hbm>>
    tpu.wait_indirect_dma semaphore(%arg12 : memref<!tpu.dma_semaphore, #tpu.memory_space<semaphore_mem>>) src(%dma_wait3A_257 : memref<8192x32xf32, #tpu.memory_space<hbm>>) dst(%dma_wait3A_251 : memref<128x32xf32, #tpu.memory_space<vmem>>)
    %dma_wait3A_258 = arith.constant 0 : i32
    %dma_wait3A_259 = arith.constant 3 : i32
    %dma_wait3A_260 = arith.constant 384 : i32
    %dma_wait3A_261 = arith.constant 0 : i32
    %dma_wait3A_262 = tpu.memref_slice %arg8[%dma_wait3A_260, %dma_wait3A_261] : memref<512x32xf32, #tpu.memory_space<vmem>> -> memref<128x32xf32, #tpu.memory_space<vmem>>
    %dma_wait3A_263 = arith.constant 0 : i32
    %dma_wait3A_264 = tpu.memref_slice %arg7[%dma_wait3A_258, %dma_wait3A_259, %dma_wait3A_263] : memref<3x8x128xi32, #tpu.memory_space<vmem>> -> memref<1x1x128xi32, #tpu.memory_space<vmem>>
    %dma_wait3A_265 = tpu.memref_squeeze %dma_wait3A_264 : memref<1x1x128xi32, #tpu.memory_space<vmem>> -> memref<128xi32, #tpu.memory_space<vmem>>
    %dma_wait3A_266 = arith.constant 0 : i32
    %dma_wait3A_267 = arith.constant 0 : i32
    %dma_wait3A_268 = tpu.memref_slice %arg2[%dma_wait3A_266, %dma_wait3A_267] : memref<8192x32xf32, #tpu.memory_space<hbm>> -> memref<8192x32xf32, #tpu.memory_space<hbm>>
    tpu.wait_indirect_dma semaphore(%arg12 : memref<!tpu.dma_semaphore, #tpu.memory_space<semaphore_mem>>) src(%dma_wait3A_268 : memref<8192x32xf32, #tpu.memory_space<hbm>>) dst(%dma_wait3A_262 : memref<128x32xf32, #tpu.memory_space<vmem>>)
    %add3A_269 = arith.constant 0 : i32
    %add3A_270 = arith.addi %mul3A_32, %add3A_269 : i32
    %dma_start3A_271 = arith.constant 0 : i32
    %dma_start3A_272 = tpu.memref_slice %arg6[%select_n3A, %add3A_270, %dma_start3A_271] : memref<4x8192x128xf32, #tpu.memory_space<hbm>> -> memref<1x512x32xf32, #tpu.memory_space<hbm>>
    %dma_start3A_273 = tpu.memref_squeeze %dma_start3A_272 : memref<1x512x32xf32, #tpu.memory_space<hbm>> -> memref<512x32xf32, #tpu.memory_space<hbm>>
    %dma_start3A_274 = arith.constant 0 : i32
    %dma_start3A_275 = tpu.memref_slice %arg6[%select_n3A, %add3A_270, %dma_start3A_274] : memref<4x8192x128xf32, #tpu.memory_space<hbm>> -> memref<1x512x32xf32, #tpu.memory_space<hbm>>
    %dma_start3A_276 = tpu.memref_squeeze %dma_start3A_275 : memref<1x512x32xf32, #tpu.memory_space<hbm>> -> memref<512x32xf32, #tpu.memory_space<hbm>>
    tpu.enqueue_dma source(%arg8 : memref<512x32xf32, #tpu.memory_space<vmem>>) target(%dma_start3A_276 : memref<512x32xf32, #tpu.memory_space<hbm>>) target_semaphore(%arg18 : memref<!tpu.dma_semaphore, #tpu.memory_space<semaphore_mem>>)
    %dma_wait3A_277 = arith.constant 0 : i32
    %dma_wait3A_278 = arith.constant 4 : i32
    %dma_wait3A_279 = arith.constant 0 : i32
    %dma_wait3A_280 = arith.constant 0 : i32
    %dma_wait3A_281 = tpu.memref_slice %arg9[%dma_wait3A_279, %dma_wait3A_280] : memref<512x32xf32, #tpu.memory_space<vmem>> -> memref<128x32xf32, #tpu.memory_space<vmem>>
    %dma_wait3A_282 = arith.constant 0 : i32
    %dma_wait3A_283 = tpu.memref_slice %arg7[%dma_wait3A_277, %dma_wait3A_278, %dma_wait3A_282] : memref<3x8x128xi32, #tpu.memory_space<vmem>> -> memref<1x1x128xi32, #tpu.memory_space<vmem>>
    %dma_wait3A_284 = tpu.memref_squeeze %dma_wait3A_283 : memref<1x1x128xi32, #tpu.memory_space<vmem>> -> memref<128xi32, #tpu.memory_space<vmem>>
    %dma_wait3A_285 = arith.constant 0 : i32
    %dma_wait3A_286 = arith.constant 0 : i32
    %dma_wait3A_287 = tpu.memref_slice %arg2[%dma_wait3A_285, %dma_wait3A_286] : memref<8192x32xf32, #tpu.memory_space<hbm>> -> memref<8192x32xf32, #tpu.memory_space<hbm>>
    tpu.wait_indirect_dma semaphore(%arg13 : memref<!tpu.dma_semaphore, #tpu.memory_space<semaphore_mem>>) src(%dma_wait3A_287 : memref<8192x32xf32, #tpu.memory_space<hbm>>) dst(%dma_wait3A_281 : memref<128x32xf32, #tpu.memory_space<vmem>>)
    %dma_wait3A_288 = arith.constant 0 : i32
    %dma_wait3A_289 = arith.constant 5 : i32
    %dma_wait3A_290 = arith.constant 128 : i32
    %dma_wait3A_291 = arith.constant 0 : i32
    %dma_wait3A_292 = tpu.memref_slice %arg9[%dma_wait3A_290, %dma_wait3A_291] : memref<512x32xf32, #tpu.memory_space<vmem>> -> memref<128x32xf32, #tpu.memory_space<vmem>>
    %dma_wait3A_293 = arith.constant 0 : i32
    %dma_wait3A_294 = tpu.memref_slice %arg7[%dma_wait3A_288, %dma_wait3A_289, %dma_wait3A_293] : memref<3x8x128xi32, #tpu.memory_space<vmem>> -> memref<1x1x128xi32, #tpu.memory_space<vmem>>
    %dma_wait3A_295 = tpu.memref_squeeze %dma_wait3A_294 : memref<1x1x128xi32, #tpu.memory_space<vmem>> -> memref<128xi32, #tpu.memory_space<vmem>>
    %dma_wait3A_296 = arith.constant 0 : i32
    %dma_wait3A_297 = arith.constant 0 : i32
    %dma_wait3A_298 = tpu.memref_slice %arg2[%dma_wait3A_296, %dma_wait3A_297] : memref<8192x32xf32, #tpu.memory_space<hbm>> -> memref<8192x32xf32, #tpu.memory_space<hbm>>
    tpu.wait_indirect_dma semaphore(%arg13 : memref<!tpu.dma_semaphore, #tpu.memory_space<semaphore_mem>>) src(%dma_wait3A_298 : memref<8192x32xf32, #tpu.memory_space<hbm>>) dst(%dma_wait3A_292 : memref<128x32xf32, #tpu.memory_space<vmem>>)
    %dma_wait3A_299 = arith.constant 0 : i32
    %dma_wait3A_300 = arith.constant 6 : i32
    %dma_wait3A_301 = arith.constant 256 : i32
    %dma_wait3A_302 = arith.constant 0 : i32
    %dma_wait3A_303 = tpu.memref_slice %arg9[%dma_wait3A_301, %dma_wait3A_302] : memref<512x32xf32, #tpu.memory_space<vmem>> -> memref<128x32xf32, #tpu.memory_space<vmem>>
    %dma_wait3A_304 = arith.constant 0 : i32
    %dma_wait3A_305 = tpu.memref_slice %arg7[%dma_wait3A_299, %dma_wait3A_300, %dma_wait3A_304] : memref<3x8x128xi32, #tpu.memory_space<vmem>> -> memref<1x1x128xi32, #tpu.memory_space<vmem>>
    %dma_wait3A_306 = tpu.memref_squeeze %dma_wait3A_305 : memref<1x1x128xi32, #tpu.memory_space<vmem>> -> memref<128xi32, #tpu.memory_space<vmem>>
    %dma_wait3A_307 = arith.constant 0 : i32
    %dma_wait3A_308 = arith.constant 0 : i32
    %dma_wait3A_309 = tpu.memref_slice %arg2[%dma_wait3A_307, %dma_wait3A_308] : memref<8192x32xf32, #tpu.memory_space<hbm>> -> memref<8192x32xf32, #tpu.memory_space<hbm>>
    tpu.wait_indirect_dma semaphore(%arg13 : memref<!tpu.dma_semaphore, #tpu.memory_space<semaphore_mem>>) src(%dma_wait3A_309 : memref<8192x32xf32, #tpu.memory_space<hbm>>) dst(%dma_wait3A_303 : memref<128x32xf32, #tpu.memory_space<vmem>>)
    %dma_wait3A_310 = arith.constant 0 : i32
    %dma_wait3A_311 = arith.constant 7 : i32
    %dma_wait3A_312 = arith.constant 384 : i32
    %dma_wait3A_313 = arith.constant 0 : i32
    %dma_wait3A_314 = tpu.memref_slice %arg9[%dma_wait3A_312, %dma_wait3A_313] : memref<512x32xf32, #tpu.memory_space<vmem>> -> memref<128x32xf32, #tpu.memory_space<vmem>>
    %dma_wait3A_315 = arith.constant 0 : i32
    %dma_wait3A_316 = tpu.memref_slice %arg7[%dma_wait3A_310, %dma_wait3A_311, %dma_wait3A_315] : memref<3x8x128xi32, #tpu.memory_space<vmem>> -> memref<1x1x128xi32, #tpu.memory_space<vmem>>
    %dma_wait3A_317 = tpu.memref_squeeze %dma_wait3A_316 : memref<1x1x128xi32, #tpu.memory_space<vmem>> -> memref<128xi32, #tpu.memory_space<vmem>>
    %dma_wait3A_318 = arith.constant 0 : i32
    %dma_wait3A_319 = arith.constant 0 : i32
    %dma_wait3A_320 = tpu.memref_slice %arg2[%dma_wait3A_318, %dma_wait3A_319] : memref<8192x32xf32, #tpu.memory_space<hbm>> -> memref<8192x32xf32, #tpu.memory_space<hbm>>
    tpu.wait_indirect_dma semaphore(%arg13 : memref<!tpu.dma_semaphore, #tpu.memory_space<semaphore_mem>>) src(%dma_wait3A_320 : memref<8192x32xf32, #tpu.memory_space<hbm>>) dst(%dma_wait3A_314 : memref<128x32xf32, #tpu.memory_space<vmem>>)
    %add3A_321 = arith.constant 512 : i32
    %add3A_322 = arith.addi %mul3A_32, %add3A_321 : i32
    %dma_start3A_323 = arith.constant 0 : i32
    %dma_start3A_324 = tpu.memref_slice %arg6[%select_n3A, %add3A_322, %dma_start3A_323] : memref<4x8192x128xf32, #tpu.memory_space<hbm>> -> memref<1x512x32xf32, #tpu.memory_space<hbm>>
    %dma_start3A_325 = tpu.memref_squeeze %dma_start3A_324 : memref<1x512x32xf32, #tpu.memory_space<hbm>> -> memref<512x32xf32, #tpu.memory_space<hbm>>
    %dma_start3A_326 = arith.constant 0 : i32
    %dma_start3A_327 = tpu.memref_slice %arg6[%select_n3A, %add3A_322, %dma_start3A_326] : memref<4x8192x128xf32, #tpu.memory_space<hbm>> -> memref<1x512x32xf32, #tpu.memory_space<hbm>>
    %dma_start3A_328 = tpu.memref_squeeze %dma_start3A_327 : memref<1x512x32xf32, #tpu.memory_space<hbm>> -> memref<512x32xf32, #tpu.memory_space<hbm>>
    tpu.enqueue_dma source(%arg9 : memref<512x32xf32, #tpu.memory_space<vmem>>) target(%dma_start3A_328 : memref<512x32xf32, #tpu.memory_space<hbm>>) target_semaphore(%arg19 : memref<!tpu.dma_semaphore, #tpu.memory_space<semaphore_mem>>)
    %dma_wait3A_329 = arith.constant 1 : i32
    %dma_wait3A_330 = arith.constant 0 : i32
    %dma_wait3A_331 = arith.constant 0 : i32
    %dma_wait3A_332 = arith.constant 0 : i32
    %dma_wait3A_333 = tpu.memref_slice %arg10[%dma_wait3A_331, %dma_wait3A_332] : memref<512x48xf32, #tpu.memory_space<vmem>> -> memref<128x48xf32, #tpu.memory_space<vmem>>
    %dma_wait3A_334 = arith.constant 0 : i32
    %dma_wait3A_335 = tpu.memref_slice %arg7[%dma_wait3A_329, %dma_wait3A_330, %dma_wait3A_334] : memref<3x8x128xi32, #tpu.memory_space<vmem>> -> memref<1x1x128xi32, #tpu.memory_space<vmem>>
    %dma_wait3A_336 = tpu.memref_squeeze %dma_wait3A_335 : memref<1x1x128xi32, #tpu.memory_space<vmem>> -> memref<128xi32, #tpu.memory_space<vmem>>
    %dma_wait3A_337 = arith.constant 0 : i32
    %dma_wait3A_338 = arith.constant 0 : i32
    %dma_wait3A_339 = tpu.memref_slice %arg3[%dma_wait3A_337, %dma_wait3A_338] : memref<8192x48xf32, #tpu.memory_space<hbm>> -> memref<8192x48xf32, #tpu.memory_space<hbm>>
    tpu.wait_indirect_dma semaphore(%arg14 : memref<!tpu.dma_semaphore, #tpu.memory_space<semaphore_mem>>) src(%dma_wait3A_339 : memref<8192x48xf32, #tpu.memory_space<hbm>>) dst(%dma_wait3A_333 : memref<128x48xf32, #tpu.memory_space<vmem>>)
    %dma_wait3A_340 = arith.constant 1 : i32
    %dma_wait3A_341 = arith.constant 1 : i32
    %dma_wait3A_342 = arith.constant 128 : i32
    %dma_wait3A_343 = arith.constant 0 : i32
    %dma_wait3A_344 = tpu.memref_slice %arg10[%dma_wait3A_342, %dma_wait3A_343] : memref<512x48xf32, #tpu.memory_space<vmem>> -> memref<128x48xf32, #tpu.memory_space<vmem>>
    %dma_wait3A_345 = arith.constant 0 : i32
    %dma_wait3A_346 = tpu.memref_slice %arg7[%dma_wait3A_340, %dma_wait3A_341, %dma_wait3A_345] : memref<3x8x128xi32, #tpu.memory_space<vmem>> -> memref<1x1x128xi32, #tpu.memory_space<vmem>>
    %dma_wait3A_347 = tpu.memref_squeeze %dma_wait3A_346 : memref<1x1x128xi32, #tpu.memory_space<vmem>> -> memref<128xi32, #tpu.memory_space<vmem>>
    %dma_wait3A_348 = arith.constant 0 : i32
    %dma_wait3A_349 = arith.constant 0 : i32
    %dma_wait3A_350 = tpu.memref_slice %arg3[%dma_wait3A_348, %dma_wait3A_349] : memref<8192x48xf32, #tpu.memory_space<hbm>> -> memref<8192x48xf32, #tpu.memory_space<hbm>>
    tpu.wait_indirect_dma semaphore(%arg14 : memref<!tpu.dma_semaphore, #tpu.memory_space<semaphore_mem>>) src(%dma_wait3A_350 : memref<8192x48xf32, #tpu.memory_space<hbm>>) dst(%dma_wait3A_344 : memref<128x48xf32, #tpu.memory_space<vmem>>)
    %dma_wait3A_351 = arith.constant 1 : i32
    %dma_wait3A_352 = arith.constant 2 : i32
    %dma_wait3A_353 = arith.constant 256 : i32
    %dma_wait3A_354 = arith.constant 0 : i32
    %dma_wait3A_355 = tpu.memref_slice %arg10[%dma_wait3A_353, %dma_wait3A_354] : memref<512x48xf32, #tpu.memory_space<vmem>> -> memref<128x48xf32, #tpu.memory_space<vmem>>
    %dma_wait3A_356 = arith.constant 0 : i32
    %dma_wait3A_357 = tpu.memref_slice %arg7[%dma_wait3A_351, %dma_wait3A_352, %dma_wait3A_356] : memref<3x8x128xi32, #tpu.memory_space<vmem>> -> memref<1x1x128xi32, #tpu.memory_space<vmem>>
    %dma_wait3A_358 = tpu.memref_squeeze %dma_wait3A_357 : memref<1x1x128xi32, #tpu.memory_space<vmem>> -> memref<128xi32, #tpu.memory_space<vmem>>
    %dma_wait3A_359 = arith.constant 0 : i32
    %dma_wait3A_360 = arith.constant 0 : i32
    %dma_wait3A_361 = tpu.memref_slice %arg3[%dma_wait3A_359, %dma_wait3A_360] : memref<8192x48xf32, #tpu.memory_space<hbm>> -> memref<8192x48xf32, #tpu.memory_space<hbm>>
    tpu.wait_indirect_dma semaphore(%arg14 : memref<!tpu.dma_semaphore, #tpu.memory_space<semaphore_mem>>) src(%dma_wait3A_361 : memref<8192x48xf32, #tpu.memory_space<hbm>>) dst(%dma_wait3A_355 : memref<128x48xf32, #tpu.memory_space<vmem>>)
    %dma_wait3A_362 = arith.constant 1 : i32
    %dma_wait3A_363 = arith.constant 3 : i32
    %dma_wait3A_364 = arith.constant 384 : i32
    %dma_wait3A_365 = arith.constant 0 : i32
    %dma_wait3A_366 = tpu.memref_slice %arg10[%dma_wait3A_364, %dma_wait3A_365] : memref<512x48xf32, #tpu.memory_space<vmem>> -> memref<128x48xf32, #tpu.memory_space<vmem>>
    %dma_wait3A_367 = arith.constant 0 : i32
    %dma_wait3A_368 = tpu.memref_slice %arg7[%dma_wait3A_362, %dma_wait3A_363, %dma_wait3A_367] : memref<3x8x128xi32, #tpu.memory_space<vmem>> -> memref<1x1x128xi32, #tpu.memory_space<vmem>>
    %dma_wait3A_369 = tpu.memref_squeeze %dma_wait3A_368 : memref<1x1x128xi32, #tpu.memory_space<vmem>> -> memref<128xi32, #tpu.memory_space<vmem>>
    %dma_wait3A_370 = arith.constant 0 : i32
    %dma_wait3A_371 = arith.constant 0 : i32
    %dma_wait3A_372 = tpu.memref_slice %arg3[%dma_wait3A_370, %dma_wait3A_371] : memref<8192x48xf32, #tpu.memory_space<hbm>> -> memref<8192x48xf32, #tpu.memory_space<hbm>>
    tpu.wait_indirect_dma semaphore(%arg14 : memref<!tpu.dma_semaphore, #tpu.memory_space<semaphore_mem>>) src(%dma_wait3A_372 : memref<8192x48xf32, #tpu.memory_space<hbm>>) dst(%dma_wait3A_366 : memref<128x48xf32, #tpu.memory_space<vmem>>)
    %add3A_373 = arith.constant 0 : i32
    %add3A_374 = arith.addi %mul3A_32, %add3A_373 : i32
    %dma_start3A_375 = arith.constant 32 : i32
    %dma_start3A_376 = tpu.memref_slice %arg6[%select_n3A, %add3A_374, %dma_start3A_375] : memref<4x8192x128xf32, #tpu.memory_space<hbm>> -> memref<1x512x48xf32, #tpu.memory_space<hbm>>
    %dma_start3A_377 = tpu.memref_squeeze %dma_start3A_376 : memref<1x512x48xf32, #tpu.memory_space<hbm>> -> memref<512x48xf32, #tpu.memory_space<hbm>>
    %dma_start3A_378 = arith.constant 32 : i32
    %dma_start3A_379 = tpu.memref_slice %arg6[%select_n3A, %add3A_374, %dma_start3A_378] : memref<4x8192x128xf32, #tpu.memory_space<hbm>> -> memref<1x512x48xf32, #tpu.memory_space<hbm>>
    %dma_start3A_380 = tpu.memref_squeeze %dma_start3A_379 : memref<1x512x48xf32, #tpu.memory_space<hbm>> -> memref<512x48xf32, #tpu.memory_space<hbm>>
    tpu.enqueue_dma source(%arg10 : memref<512x48xf32, #tpu.memory_space<vmem>>) target(%dma_start3A_380 : memref<512x48xf32, #tpu.memory_space<hbm>>) target_semaphore(%arg20 : memref<!tpu.dma_semaphore, #tpu.memory_space<semaphore_mem>>)
    %dma_wait3A_381 = arith.constant 32 : i32
    %dma_wait3A_382 = tpu.memref_slice %arg6[%select_n3A, %add3A_374, %dma_wait3A_381] : memref<4x8192x128xf32, #tpu.memory_space<hbm>> -> memref<1x512x48xf32, #tpu.memory_space<hbm>>
    %dma_wait3A_383 = tpu.memref_squeeze %dma_wait3A_382 : memref<1x512x48xf32, #tpu.memory_space<hbm>> -> memref<512x48xf32, #tpu.memory_space<hbm>>
    %dma_wait3A_384 = arith.constant 32 : i32
    %dma_wait3A_385 = tpu.memref_slice %arg6[%select_n3A, %add3A_374, %dma_wait3A_384] : memref<4x8192x128xf32, #tpu.memory_space<hbm>> -> memref<1x512x48xf32, #tpu.memory_space<hbm>>
    %dma_wait3A_386 = tpu.memref_squeeze %dma_wait3A_385 : memref<1x512x48xf32, #tpu.memory_space<hbm>> -> memref<512x48xf32, #tpu.memory_space<hbm>>
    tpu.wait_dma2 semaphore(%arg20 : memref<!tpu.dma_semaphore, #tpu.memory_space<semaphore_mem>>) src(%arg10 : memref<512x48xf32, #tpu.memory_space<vmem>>) dst(%dma_wait3A_386 : memref<512x48xf32, #tpu.memory_space<hbm>>)
    %dma_start3A_387 = arith.constant 2 : i32
    %dma_start3A_388 = arith.constant 0 : i32
    %dma_start3A_389 = arith.constant 0 : i32
    %dma_start3A_390 = arith.constant 0 : i32
    %dma_start3A_391 = tpu.memref_slice %arg10[%dma_start3A_389, %dma_start3A_390] : memref<512x48xf32, #tpu.memory_space<vmem>> -> memref<128x48xf32, #tpu.memory_space<vmem>>
    %dma_start3A_392 = arith.constant 0 : i32
    %dma_start3A_393 = tpu.memref_slice %arg7[%dma_start3A_387, %dma_start3A_388, %dma_start3A_392] : memref<3x8x128xi32, #tpu.memory_space<vmem>> -> memref<1x1x128xi32, #tpu.memory_space<vmem>>
    %dma_start3A_394 = tpu.memref_squeeze %dma_start3A_393 : memref<1x1x128xi32, #tpu.memory_space<vmem>> -> memref<128xi32, #tpu.memory_space<vmem>>
    %dma_start3A_395 = arith.constant 0 : i32
    %dma_start3A_396 = arith.constant 0 : i32
    %dma_start3A_397 = tpu.memref_slice %arg4[%dma_start3A_395, %dma_start3A_396] : memref<8192x48xf32, #tpu.memory_space<hbm>> -> memref<8192x48xf32, #tpu.memory_space<hbm>>
    tpu.enqueue_indirect_dma source(%dma_start3A_397 : memref<8192x48xf32, #tpu.memory_space<hbm>>) target(%dma_start3A_391 : memref<128x48xf32, #tpu.memory_space<vmem>>) offsets(%dma_start3A_394 : memref<128xi32, #tpu.memory_space<vmem>>) semaphore(%arg16 : memref<!tpu.dma_semaphore, #tpu.memory_space<semaphore_mem>>)
    %dma_start3A_398 = arith.constant 2 : i32
    %dma_start3A_399 = arith.constant 1 : i32
    %dma_start3A_400 = arith.constant 128 : i32
    %dma_start3A_401 = arith.constant 0 : i32
    %dma_start3A_402 = tpu.memref_slice %arg10[%dma_start3A_400, %dma_start3A_401] : memref<512x48xf32, #tpu.memory_space<vmem>> -> memref<128x48xf32, #tpu.memory_space<vmem>>
    %dma_start3A_403 = arith.constant 0 : i32
    %dma_start3A_404 = tpu.memref_slice %arg7[%dma_start3A_398, %dma_start3A_399, %dma_start3A_403] : memref<3x8x128xi32, #tpu.memory_space<vmem>> -> memref<1x1x128xi32, #tpu.memory_space<vmem>>
    %dma_start3A_405 = tpu.memref_squeeze %dma_start3A_404 : memref<1x1x128xi32, #tpu.memory_space<vmem>> -> memref<128xi32, #tpu.memory_space<vmem>>
    %dma_start3A_406 = arith.constant 0 : i32
    %dma_start3A_407 = arith.constant 0 : i32
    %dma_start3A_408 = tpu.memref_slice %arg4[%dma_start3A_406, %dma_start3A_407] : memref<8192x48xf32, #tpu.memory_space<hbm>> -> memref<8192x48xf32, #tpu.memory_space<hbm>>
    tpu.enqueue_indirect_dma source(%dma_start3A_408 : memref<8192x48xf32, #tpu.memory_space<hbm>>) target(%dma_start3A_402 : memref<128x48xf32, #tpu.memory_space<vmem>>) offsets(%dma_start3A_405 : memref<128xi32, #tpu.memory_space<vmem>>) semaphore(%arg16 : memref<!tpu.dma_semaphore, #tpu.memory_space<semaphore_mem>>)
    %dma_start3A_409 = arith.constant 2 : i32
    %dma_start3A_410 = arith.constant 2 : i32
    %dma_start3A_411 = arith.constant 256 : i32
    %dma_start3A_412 = arith.constant 0 : i32
    %dma_start3A_413 = tpu.memref_slice %arg10[%dma_start3A_411, %dma_start3A_412] : memref<512x48xf32, #tpu.memory_space<vmem>> -> memref<128x48xf32, #tpu.memory_space<vmem>>
    %dma_start3A_414 = arith.constant 0 : i32
    %dma_start3A_415 = tpu.memref_slice %arg7[%dma_start3A_409, %dma_start3A_410, %dma_start3A_414] : memref<3x8x128xi32, #tpu.memory_space<vmem>> -> memref<1x1x128xi32, #tpu.memory_space<vmem>>
    %dma_start3A_416 = tpu.memref_squeeze %dma_start3A_415 : memref<1x1x128xi32, #tpu.memory_space<vmem>> -> memref<128xi32, #tpu.memory_space<vmem>>
    %dma_start3A_417 = arith.constant 0 : i32
    %dma_start3A_418 = arith.constant 0 : i32
    %dma_start3A_419 = tpu.memref_slice %arg4[%dma_start3A_417, %dma_start3A_418] : memref<8192x48xf32, #tpu.memory_space<hbm>> -> memref<8192x48xf32, #tpu.memory_space<hbm>>
    tpu.enqueue_indirect_dma source(%dma_start3A_419 : memref<8192x48xf32, #tpu.memory_space<hbm>>) target(%dma_start3A_413 : memref<128x48xf32, #tpu.memory_space<vmem>>) offsets(%dma_start3A_416 : memref<128xi32, #tpu.memory_space<vmem>>) semaphore(%arg16 : memref<!tpu.dma_semaphore, #tpu.memory_space<semaphore_mem>>)
    %dma_start3A_420 = arith.constant 2 : i32
    %dma_start3A_421 = arith.constant 3 : i32
    %dma_start3A_422 = arith.constant 384 : i32
    %dma_start3A_423 = arith.constant 0 : i32
    %dma_start3A_424 = tpu.memref_slice %arg10[%dma_start3A_422, %dma_start3A_423] : memref<512x48xf32, #tpu.memory_space<vmem>> -> memref<128x48xf32, #tpu.memory_space<vmem>>
    %dma_start3A_425 = arith.constant 0 : i32
    %dma_start3A_426 = tpu.memref_slice %arg7[%dma_start3A_420, %dma_start3A_421, %dma_start3A_425] : memref<3x8x128xi32, #tpu.memory_space<vmem>> -> memref<1x1x128xi32, #tpu.memory_space<vmem>>
    %dma_start3A_427 = tpu.memref_squeeze %dma_start3A_426 : memref<1x1x128xi32, #tpu.memory_space<vmem>> -> memref<128xi32, #tpu.memory_space<vmem>>
    %dma_start3A_428 = arith.constant 0 : i32
    %dma_start3A_429 = arith.constant 0 : i32
    %dma_start3A_430 = tpu.memref_slice %arg4[%dma_start3A_428, %dma_start3A_429] : memref<8192x48xf32, #tpu.memory_space<hbm>> -> memref<8192x48xf32, #tpu.memory_space<hbm>>
    tpu.enqueue_indirect_dma source(%dma_start3A_430 : memref<8192x48xf32, #tpu.memory_space<hbm>>) target(%dma_start3A_424 : memref<128x48xf32, #tpu.memory_space<vmem>>) offsets(%dma_start3A_427 : memref<128xi32, #tpu.memory_space<vmem>>) semaphore(%arg16 : memref<!tpu.dma_semaphore, #tpu.memory_space<semaphore_mem>>)
    %dma_wait3A_431 = arith.constant 1 : i32
    %dma_wait3A_432 = arith.constant 4 : i32
    %dma_wait3A_433 = arith.constant 0 : i32
    %dma_wait3A_434 = arith.constant 0 : i32
    %dma_wait3A_435 = tpu.memref_slice %arg11[%dma_wait3A_433, %dma_wait3A_434] : memref<512x48xf32, #tpu.memory_space<vmem>> -> memref<128x48xf32, #tpu.memory_space<vmem>>
    %dma_wait3A_436 = arith.constant 0 : i32
    %dma_wait3A_437 = tpu.memref_slice %arg7[%dma_wait3A_431, %dma_wait3A_432, %dma_wait3A_436] : memref<3x8x128xi32, #tpu.memory_space<vmem>> -> memref<1x1x128xi32, #tpu.memory_space<vmem>>
    %dma_wait3A_438 = tpu.memref_squeeze %dma_wait3A_437 : memref<1x1x128xi32, #tpu.memory_space<vmem>> -> memref<128xi32, #tpu.memory_space<vmem>>
    %dma_wait3A_439 = arith.constant 0 : i32
    %dma_wait3A_440 = arith.constant 0 : i32
    %dma_wait3A_441 = tpu.memref_slice %arg3[%dma_wait3A_439, %dma_wait3A_440] : memref<8192x48xf32, #tpu.memory_space<hbm>> -> memref<8192x48xf32, #tpu.memory_space<hbm>>
    tpu.wait_indirect_dma semaphore(%arg15 : memref<!tpu.dma_semaphore, #tpu.memory_space<semaphore_mem>>) src(%dma_wait3A_441 : memref<8192x48xf32, #tpu.memory_space<hbm>>) dst(%dma_wait3A_435 : memref<128x48xf32, #tpu.memory_space<vmem>>)
    %dma_wait3A_442 = arith.constant 1 : i32
    %dma_wait3A_443 = arith.constant 5 : i32
    %dma_wait3A_444 = arith.constant 128 : i32
    %dma_wait3A_445 = arith.constant 0 : i32
    %dma_wait3A_446 = tpu.memref_slice %arg11[%dma_wait3A_444, %dma_wait3A_445] : memref<512x48xf32, #tpu.memory_space<vmem>> -> memref<128x48xf32, #tpu.memory_space<vmem>>
    %dma_wait3A_447 = arith.constant 0 : i32
    %dma_wait3A_448 = tpu.memref_slice %arg7[%dma_wait3A_442, %dma_wait3A_443, %dma_wait3A_447] : memref<3x8x128xi32, #tpu.memory_space<vmem>> -> memref<1x1x128xi32, #tpu.memory_space<vmem>>
    %dma_wait3A_449 = tpu.memref_squeeze %dma_wait3A_448 : memref<1x1x128xi32, #tpu.memory_space<vmem>> -> memref<128xi32, #tpu.memory_space<vmem>>
    %dma_wait3A_450 = arith.constant 0 : i32
    %dma_wait3A_451 = arith.constant 0 : i32
    %dma_wait3A_452 = tpu.memref_slice %arg3[%dma_wait3A_450, %dma_wait3A_451] : memref<8192x48xf32, #tpu.memory_space<hbm>> -> memref<8192x48xf32, #tpu.memory_space<hbm>>
    tpu.wait_indirect_dma semaphore(%arg15 : memref<!tpu.dma_semaphore, #tpu.memory_space<semaphore_mem>>) src(%dma_wait3A_452 : memref<8192x48xf32, #tpu.memory_space<hbm>>) dst(%dma_wait3A_446 : memref<128x48xf32, #tpu.memory_space<vmem>>)
    %dma_wait3A_453 = arith.constant 1 : i32
    %dma_wait3A_454 = arith.constant 6 : i32
    %dma_wait3A_455 = arith.constant 256 : i32
    %dma_wait3A_456 = arith.constant 0 : i32
    %dma_wait3A_457 = tpu.memref_slice %arg11[%dma_wait3A_455, %dma_wait3A_456] : memref<512x48xf32, #tpu.memory_space<vmem>> -> memref<128x48xf32, #tpu.memory_space<vmem>>
    %dma_wait3A_458 = arith.constant 0 : i32
    %dma_wait3A_459 = tpu.memref_slice %arg7[%dma_wait3A_453, %dma_wait3A_454, %dma_wait3A_458] : memref<3x8x128xi32, #tpu.memory_space<vmem>> -> memref<1x1x128xi32, #tpu.memory_space<vmem>>
    %dma_wait3A_460 = tpu.memref_squeeze %dma_wait3A_459 : memref<1x1x128xi32, #tpu.memory_space<vmem>> -> memref<128xi32, #tpu.memory_space<vmem>>
    %dma_wait3A_461 = arith.constant 0 : i32
    %dma_wait3A_462 = arith.constant 0 : i32
    %dma_wait3A_463 = tpu.memref_slice %arg3[%dma_wait3A_461, %dma_wait3A_462] : memref<8192x48xf32, #tpu.memory_space<hbm>> -> memref<8192x48xf32, #tpu.memory_space<hbm>>
    tpu.wait_indirect_dma semaphore(%arg15 : memref<!tpu.dma_semaphore, #tpu.memory_space<semaphore_mem>>) src(%dma_wait3A_463 : memref<8192x48xf32, #tpu.memory_space<hbm>>) dst(%dma_wait3A_457 : memref<128x48xf32, #tpu.memory_space<vmem>>)
    %dma_wait3A_464 = arith.constant 1 : i32
    %dma_wait3A_465 = arith.constant 7 : i32
    %dma_wait3A_466 = arith.constant 384 : i32
    %dma_wait3A_467 = arith.constant 0 : i32
    %dma_wait3A_468 = tpu.memref_slice %arg11[%dma_wait3A_466, %dma_wait3A_467] : memref<512x48xf32, #tpu.memory_space<vmem>> -> memref<128x48xf32, #tpu.memory_space<vmem>>
    %dma_wait3A_469 = arith.constant 0 : i32
    %dma_wait3A_470 = tpu.memref_slice %arg7[%dma_wait3A_464, %dma_wait3A_465, %dma_wait3A_469] : memref<3x8x128xi32, #tpu.memory_space<vmem>> -> memref<1x1x128xi32, #tpu.memory_space<vmem>>
    %dma_wait3A_471 = tpu.memref_squeeze %dma_wait3A_470 : memref<1x1x128xi32, #tpu.memory_space<vmem>> -> memref<128xi32, #tpu.memory_space<vmem>>
    %dma_wait3A_472 = arith.constant 0 : i32
    %dma_wait3A_473 = arith.constant 0 : i32
    %dma_wait3A_474 = tpu.memref_slice %arg3[%dma_wait3A_472, %dma_wait3A_473] : memref<8192x48xf32, #tpu.memory_space<hbm>> -> memref<8192x48xf32, #tpu.memory_space<hbm>>
    tpu.wait_indirect_dma semaphore(%arg15 : memref<!tpu.dma_semaphore, #tpu.memory_space<semaphore_mem>>) src(%dma_wait3A_474 : memref<8192x48xf32, #tpu.memory_space<hbm>>) dst(%dma_wait3A_468 : memref<128x48xf32, #tpu.memory_space<vmem>>)
    %add3A_475 = arith.constant 512 : i32
    %add3A_476 = arith.addi %mul3A_32, %add3A_475 : i32
    %dma_start3A_477 = arith.constant 32 : i32
    %dma_start3A_478 = tpu.memref_slice %arg6[%select_n3A, %add3A_476, %dma_start3A_477] : memref<4x8192x128xf32, #tpu.memory_space<hbm>> -> memref<1x512x48xf32, #tpu.memory_space<hbm>>
    %dma_start3A_479 = tpu.memref_squeeze %dma_start3A_478 : memref<1x512x48xf32, #tpu.memory_space<hbm>> -> memref<512x48xf32, #tpu.memory_space<hbm>>
    %dma_start3A_480 = arith.constant 32 : i32
    %dma_start3A_481 = tpu.memref_slice %arg6[%select_n3A, %add3A_476, %dma_start3A_480] : memref<4x8192x128xf32, #tpu.memory_space<hbm>> -> memref<1x512x48xf32, #tpu.memory_space<hbm>>
    %dma_start3A_482 = tpu.memref_squeeze %dma_start3A_481 : memref<1x512x48xf32, #tpu.memory_space<hbm>> -> memref<512x48xf32, #tpu.memory_space<hbm>>
    tpu.enqueue_dma source(%arg11 : memref<512x48xf32, #tpu.memory_space<vmem>>) target(%dma_start3A_482 : memref<512x48xf32, #tpu.memory_space<hbm>>) target_semaphore(%arg21 : memref<!tpu.dma_semaphore, #tpu.memory_space<semaphore_mem>>)
    %dma_wait3A_483 = arith.constant 32 : i32
    %dma_wait3A_484 = tpu.memref_slice %arg6[%select_n3A, %add3A_476, %dma_wait3A_483] : memref<4x8192x128xf32, #tpu.memory_space<hbm>> -> memref<1x512x48xf32, #tpu.memory_space<hbm>>
    %dma_wait3A_485 = tpu.memref_squeeze %dma_wait3A_484 : memref<1x512x48xf32, #tpu.memory_space<hbm>> -> memref<512x48xf32, #tpu.memory_space<hbm>>
    %dma_wait3A_486 = arith.constant 32 : i32
    %dma_wait3A_487 = tpu.memref_slice %arg6[%select_n3A, %add3A_476, %dma_wait3A_486] : memref<4x8192x128xf32, #tpu.memory_space<hbm>> -> memref<1x512x48xf32, #tpu.memory_space<hbm>>
    %dma_wait3A_488 = tpu.memref_squeeze %dma_wait3A_487 : memref<1x512x48xf32, #tpu.memory_space<hbm>> -> memref<512x48xf32, #tpu.memory_space<hbm>>
    tpu.wait_dma2 semaphore(%arg21 : memref<!tpu.dma_semaphore, #tpu.memory_space<semaphore_mem>>) src(%arg11 : memref<512x48xf32, #tpu.memory_space<vmem>>) dst(%dma_wait3A_488 : memref<512x48xf32, #tpu.memory_space<hbm>>)
    %dma_start3A_489 = arith.constant 2 : i32
    %dma_start3A_490 = arith.constant 4 : i32
    %dma_start3A_491 = arith.constant 0 : i32
    %dma_start3A_492 = arith.constant 0 : i32
    %dma_start3A_493 = tpu.memref_slice %arg11[%dma_start3A_491, %dma_start3A_492] : memref<512x48xf32, #tpu.memory_space<vmem>> -> memref<128x48xf32, #tpu.memory_space<vmem>>
    %dma_start3A_494 = arith.constant 0 : i32
    %dma_start3A_495 = tpu.memref_slice %arg7[%dma_start3A_489, %dma_start3A_490, %dma_start3A_494] : memref<3x8x128xi32, #tpu.memory_space<vmem>> -> memref<1x1x128xi32, #tpu.memory_space<vmem>>
    %dma_start3A_496 = tpu.memref_squeeze %dma_start3A_495 : memref<1x1x128xi32, #tpu.memory_space<vmem>> -> memref<128xi32, #tpu.memory_space<vmem>>
    %dma_start3A_497 = arith.constant 0 : i32
    %dma_start3A_498 = arith.constant 0 : i32
    %dma_start3A_499 = tpu.memref_slice %arg4[%dma_start3A_497, %dma_start3A_498] : memref<8192x48xf32, #tpu.memory_space<hbm>> -> memref<8192x48xf32, #tpu.memory_space<hbm>>
    tpu.enqueue_indirect_dma source(%dma_start3A_499 : memref<8192x48xf32, #tpu.memory_space<hbm>>) target(%dma_start3A_493 : memref<128x48xf32, #tpu.memory_space<vmem>>) offsets(%dma_start3A_496 : memref<128xi32, #tpu.memory_space<vmem>>) semaphore(%arg17 : memref<!tpu.dma_semaphore, #tpu.memory_space<semaphore_mem>>)
    %dma_start3A_500 = arith.constant 2 : i32
    %dma_start3A_501 = arith.constant 5 : i32
    %dma_start3A_502 = arith.constant 128 : i32
    %dma_start3A_503 = arith.constant 0 : i32
    %dma_start3A_504 = tpu.memref_slice %arg11[%dma_start3A_502, %dma_start3A_503] : memref<512x48xf32, #tpu.memory_space<vmem>> -> memref<128x48xf32, #tpu.memory_space<vmem>>
    %dma_start3A_505 = arith.constant 0 : i32
    %dma_start3A_506 = tpu.memref_slice %arg7[%dma_start3A_500, %dma_start3A_501, %dma_start3A_505] : memref<3x8x128xi32, #tpu.memory_space<vmem>> -> memref<1x1x128xi32, #tpu.memory_space<vmem>>
    %dma_start3A_507 = tpu.memref_squeeze %dma_start3A_506 : memref<1x1x128xi32, #tpu.memory_space<vmem>> -> memref<128xi32, #tpu.memory_space<vmem>>
    %dma_start3A_508 = arith.constant 0 : i32
    %dma_start3A_509 = arith.constant 0 : i32
    %dma_start3A_510 = tpu.memref_slice %arg4[%dma_start3A_508, %dma_start3A_509] : memref<8192x48xf32, #tpu.memory_space<hbm>> -> memref<8192x48xf32, #tpu.memory_space<hbm>>
    tpu.enqueue_indirect_dma source(%dma_start3A_510 : memref<8192x48xf32, #tpu.memory_space<hbm>>) target(%dma_start3A_504 : memref<128x48xf32, #tpu.memory_space<vmem>>) offsets(%dma_start3A_507 : memref<128xi32, #tpu.memory_space<vmem>>) semaphore(%arg17 : memref<!tpu.dma_semaphore, #tpu.memory_space<semaphore_mem>>)
    %dma_start3A_511 = arith.constant 2 : i32
    %dma_start3A_512 = arith.constant 6 : i32
    %dma_start3A_513 = arith.constant 256 : i32
    %dma_start3A_514 = arith.constant 0 : i32
    %dma_start3A_515 = tpu.memref_slice %arg11[%dma_start3A_513, %dma_start3A_514] : memref<512x48xf32, #tpu.memory_space<vmem>> -> memref<128x48xf32, #tpu.memory_space<vmem>>
    %dma_start3A_516 = arith.constant 0 : i32
    %dma_start3A_517 = tpu.memref_slice %arg7[%dma_start3A_511, %dma_start3A_512, %dma_start3A_516] : memref<3x8x128xi32, #tpu.memory_space<vmem>> -> memref<1x1x128xi32, #tpu.memory_space<vmem>>
    %dma_start3A_518 = tpu.memref_squeeze %dma_start3A_517 : memref<1x1x128xi32, #tpu.memory_space<vmem>> -> memref<128xi32, #tpu.memory_space<vmem>>
    %dma_start3A_519 = arith.constant 0 : i32
    %dma_start3A_520 = arith.constant 0 : i32
    %dma_start3A_521 = tpu.memref_slice %arg4[%dma_start3A_519, %dma_start3A_520] : memref<8192x48xf32, #tpu.memory_space<hbm>> -> memref<8192x48xf32, #tpu.memory_space<hbm>>
    tpu.enqueue_indirect_dma source(%dma_start3A_521 : memref<8192x48xf32, #tpu.memory_space<hbm>>) target(%dma_start3A_515 : memref<128x48xf32, #tpu.memory_space<vmem>>) offsets(%dma_start3A_518 : memref<128xi32, #tpu.memory_space<vmem>>) semaphore(%arg17 : memref<!tpu.dma_semaphore, #tpu.memory_space<semaphore_mem>>)
    %dma_start3A_522 = arith.constant 2 : i32
    %dma_start3A_523 = arith.constant 7 : i32
    %dma_start3A_524 = arith.constant 384 : i32
    %dma_start3A_525 = arith.constant 0 : i32
    %dma_start3A_526 = tpu.memref_slice %arg11[%dma_start3A_524, %dma_start3A_525] : memref<512x48xf32, #tpu.memory_space<vmem>> -> memref<128x48xf32, #tpu.memory_space<vmem>>
    %dma_start3A_527 = arith.constant 0 : i32
    %dma_start3A_528 = tpu.memref_slice %arg7[%dma_start3A_522, %dma_start3A_523, %dma_start3A_527] : memref<3x8x128xi32, #tpu.memory_space<vmem>> -> memref<1x1x128xi32, #tpu.memory_space<vmem>>
    %dma_start3A_529 = tpu.memref_squeeze %dma_start3A_528 : memref<1x1x128xi32, #tpu.memory_space<vmem>> -> memref<128xi32, #tpu.memory_space<vmem>>
    %dma_start3A_530 = arith.constant 0 : i32
    %dma_start3A_531 = arith.constant 0 : i32
    %dma_start3A_532 = tpu.memref_slice %arg4[%dma_start3A_530, %dma_start3A_531] : memref<8192x48xf32, #tpu.memory_space<hbm>> -> memref<8192x48xf32, #tpu.memory_space<hbm>>
    tpu.enqueue_indirect_dma source(%dma_start3A_532 : memref<8192x48xf32, #tpu.memory_space<hbm>>) target(%dma_start3A_526 : memref<128x48xf32, #tpu.memory_space<vmem>>) offsets(%dma_start3A_529 : memref<128xi32, #tpu.memory_space<vmem>>) semaphore(%arg17 : memref<!tpu.dma_semaphore, #tpu.memory_space<semaphore_mem>>)
    %dma_wait3A_533 = arith.constant 2 : i32
    %dma_wait3A_534 = arith.constant 0 : i32
    %dma_wait3A_535 = arith.constant 0 : i32
    %dma_wait3A_536 = arith.constant 0 : i32
    %dma_wait3A_537 = tpu.memref_slice %arg10[%dma_wait3A_535, %dma_wait3A_536] : memref<512x48xf32, #tpu.memory_space<vmem>> -> memref<128x48xf32, #tpu.memory_space<vmem>>
    %dma_wait3A_538 = arith.constant 0 : i32
    %dma_wait3A_539 = tpu.memref_slice %arg7[%dma_wait3A_533, %dma_wait3A_534, %dma_wait3A_538] : memref<3x8x128xi32, #tpu.memory_space<vmem>> -> memref<1x1x128xi32, #tpu.memory_space<vmem>>
    %dma_wait3A_540 = tpu.memref_squeeze %dma_wait3A_539 : memref<1x1x128xi32, #tpu.memory_space<vmem>> -> memref<128xi32, #tpu.memory_space<vmem>>
    %dma_wait3A_541 = arith.constant 0 : i32
    %dma_wait3A_542 = arith.constant 0 : i32
    %dma_wait3A_543 = tpu.memref_slice %arg4[%dma_wait3A_541, %dma_wait3A_542] : memref<8192x48xf32, #tpu.memory_space<hbm>> -> memref<8192x48xf32, #tpu.memory_space<hbm>>
    tpu.wait_indirect_dma semaphore(%arg16 : memref<!tpu.dma_semaphore, #tpu.memory_space<semaphore_mem>>) src(%dma_wait3A_543 : memref<8192x48xf32, #tpu.memory_space<hbm>>) dst(%dma_wait3A_537 : memref<128x48xf32, #tpu.memory_space<vmem>>)
    %dma_wait3A_544 = arith.constant 2 : i32
    %dma_wait3A_545 = arith.constant 1 : i32
    %dma_wait3A_546 = arith.constant 128 : i32
    %dma_wait3A_547 = arith.constant 0 : i32
    %dma_wait3A_548 = tpu.memref_slice %arg10[%dma_wait3A_546, %dma_wait3A_547] : memref<512x48xf32, #tpu.memory_space<vmem>> -> memref<128x48xf32, #tpu.memory_space<vmem>>
    %dma_wait3A_549 = arith.constant 0 : i32
    %dma_wait3A_550 = tpu.memref_slice %arg7[%dma_wait3A_544, %dma_wait3A_545, %dma_wait3A_549] : memref<3x8x128xi32, #tpu.memory_space<vmem>> -> memref<1x1x128xi32, #tpu.memory_space<vmem>>
    %dma_wait3A_551 = tpu.memref_squeeze %dma_wait3A_550 : memref<1x1x128xi32, #tpu.memory_space<vmem>> -> memref<128xi32, #tpu.memory_space<vmem>>
    %dma_wait3A_552 = arith.constant 0 : i32
    %dma_wait3A_553 = arith.constant 0 : i32
    %dma_wait3A_554 = tpu.memref_slice %arg4[%dma_wait3A_552, %dma_wait3A_553] : memref<8192x48xf32, #tpu.memory_space<hbm>> -> memref<8192x48xf32, #tpu.memory_space<hbm>>
    tpu.wait_indirect_dma semaphore(%arg16 : memref<!tpu.dma_semaphore, #tpu.memory_space<semaphore_mem>>) src(%dma_wait3A_554 : memref<8192x48xf32, #tpu.memory_space<hbm>>) dst(%dma_wait3A_548 : memref<128x48xf32, #tpu.memory_space<vmem>>)
    %dma_wait3A_555 = arith.constant 2 : i32
    %dma_wait3A_556 = arith.constant 2 : i32
    %dma_wait3A_557 = arith.constant 256 : i32
    %dma_wait3A_558 = arith.constant 0 : i32
    %dma_wait3A_559 = tpu.memref_slice %arg10[%dma_wait3A_557, %dma_wait3A_558] : memref<512x48xf32, #tpu.memory_space<vmem>> -> memref<128x48xf32, #tpu.memory_space<vmem>>
    %dma_wait3A_560 = arith.constant 0 : i32
    %dma_wait3A_561 = tpu.memref_slice %arg7[%dma_wait3A_555, %dma_wait3A_556, %dma_wait3A_560] : memref<3x8x128xi32, #tpu.memory_space<vmem>> -> memref<1x1x128xi32, #tpu.memory_space<vmem>>
    %dma_wait3A_562 = tpu.memref_squeeze %dma_wait3A_561 : memref<1x1x128xi32, #tpu.memory_space<vmem>> -> memref<128xi32, #tpu.memory_space<vmem>>
    %dma_wait3A_563 = arith.constant 0 : i32
    %dma_wait3A_564 = arith.constant 0 : i32
    %dma_wait3A_565 = tpu.memref_slice %arg4[%dma_wait3A_563, %dma_wait3A_564] : memref<8192x48xf32, #tpu.memory_space<hbm>> -> memref<8192x48xf32, #tpu.memory_space<hbm>>
    tpu.wait_indirect_dma semaphore(%arg16 : memref<!tpu.dma_semaphore, #tpu.memory_space<semaphore_mem>>) src(%dma_wait3A_565 : memref<8192x48xf32, #tpu.memory_space<hbm>>) dst(%dma_wait3A_559 : memref<128x48xf32, #tpu.memory_space<vmem>>)
    %dma_wait3A_566 = arith.constant 2 : i32
    %dma_wait3A_567 = arith.constant 3 : i32
    %dma_wait3A_568 = arith.constant 384 : i32
    %dma_wait3A_569 = arith.constant 0 : i32
    %dma_wait3A_570 = tpu.memref_slice %arg10[%dma_wait3A_568, %dma_wait3A_569] : memref<512x48xf32, #tpu.memory_space<vmem>> -> memref<128x48xf32, #tpu.memory_space<vmem>>
    %dma_wait3A_571 = arith.constant 0 : i32
    %dma_wait3A_572 = tpu.memref_slice %arg7[%dma_wait3A_566, %dma_wait3A_567, %dma_wait3A_571] : memref<3x8x128xi32, #tpu.memory_space<vmem>> -> memref<1x1x128xi32, #tpu.memory_space<vmem>>
    %dma_wait3A_573 = tpu.memref_squeeze %dma_wait3A_572 : memref<1x1x128xi32, #tpu.memory_space<vmem>> -> memref<128xi32, #tpu.memory_space<vmem>>
    %dma_wait3A_574 = arith.constant 0 : i32
    %dma_wait3A_575 = arith.constant 0 : i32
    %dma_wait3A_576 = tpu.memref_slice %arg4[%dma_wait3A_574, %dma_wait3A_575] : memref<8192x48xf32, #tpu.memory_space<hbm>> -> memref<8192x48xf32, #tpu.memory_space<hbm>>
    tpu.wait_indirect_dma semaphore(%arg16 : memref<!tpu.dma_semaphore, #tpu.memory_space<semaphore_mem>>) src(%dma_wait3A_576 : memref<8192x48xf32, #tpu.memory_space<hbm>>) dst(%dma_wait3A_570 : memref<128x48xf32, #tpu.memory_space<vmem>>)
    %add3A_577 = arith.constant 0 : i32
    %add3A_578 = arith.addi %mul3A_32, %add3A_577 : i32
    %dma_start3A_579 = arith.constant 80 : i32
    %dma_start3A_580 = tpu.memref_slice %arg6[%select_n3A, %add3A_578, %dma_start3A_579] : memref<4x8192x128xf32, #tpu.memory_space<hbm>> -> memref<1x512x48xf32, #tpu.memory_space<hbm>>
    %dma_start3A_581 = tpu.memref_squeeze %dma_start3A_580 : memref<1x512x48xf32, #tpu.memory_space<hbm>> -> memref<512x48xf32, #tpu.memory_space<hbm>>
    %dma_start3A_582 = arith.constant 80 : i32
    %dma_start3A_583 = tpu.memref_slice %arg6[%select_n3A, %add3A_578, %dma_start3A_582] : memref<4x8192x128xf32, #tpu.memory_space<hbm>> -> memref<1x512x48xf32, #tpu.memory_space<hbm>>
    %dma_start3A_584 = tpu.memref_squeeze %dma_start3A_583 : memref<1x512x48xf32, #tpu.memory_space<hbm>> -> memref<512x48xf32, #tpu.memory_space<hbm>>
    tpu.enqueue_dma source(%arg10 : memref<512x48xf32, #tpu.memory_space<vmem>>) target(%dma_start3A_584 : memref<512x48xf32, #tpu.memory_space<hbm>>) target_semaphore(%arg20 : memref<!tpu.dma_semaphore, #tpu.memory_space<semaphore_mem>>)
    %dma_wait3A_585 = arith.constant 2 : i32
    %dma_wait3A_586 = arith.constant 4 : i32
    %dma_wait3A_587 = arith.constant 0 : i32
    %dma_wait3A_588 = arith.constant 0 : i32
    %dma_wait3A_589 = tpu.memref_slice %arg11[%dma_wait3A_587, %dma_wait3A_588] : memref<512x48xf32, #tpu.memory_space<vmem>> -> memref<128x48xf32, #tpu.memory_space<vmem>>
    %dma_wait3A_590 = arith.constant 0 : i32
    %dma_wait3A_591 = tpu.memref_slice %arg7[%dma_wait3A_585, %dma_wait3A_586, %dma_wait3A_590] : memref<3x8x128xi32, #tpu.memory_space<vmem>> -> memref<1x1x128xi32, #tpu.memory_space<vmem>>
    %dma_wait3A_592 = tpu.memref_squeeze %dma_wait3A_591 : memref<1x1x128xi32, #tpu.memory_space<vmem>> -> memref<128xi32, #tpu.memory_space<vmem>>
    %dma_wait3A_593 = arith.constant 0 : i32
    %dma_wait3A_594 = arith.constant 0 : i32
    %dma_wait3A_595 = tpu.memref_slice %arg4[%dma_wait3A_593, %dma_wait3A_594] : memref<8192x48xf32, #tpu.memory_space<hbm>> -> memref<8192x48xf32, #tpu.memory_space<hbm>>
    tpu.wait_indirect_dma semaphore(%arg17 : memref<!tpu.dma_semaphore, #tpu.memory_space<semaphore_mem>>) src(%dma_wait3A_595 : memref<8192x48xf32, #tpu.memory_space<hbm>>) dst(%dma_wait3A_589 : memref<128x48xf32, #tpu.memory_space<vmem>>)
    %dma_wait3A_596 = arith.constant 2 : i32
    %dma_wait3A_597 = arith.constant 5 : i32
    %dma_wait3A_598 = arith.constant 128 : i32
    %dma_wait3A_599 = arith.constant 0 : i32
    %dma_wait3A_600 = tpu.memref_slice %arg11[%dma_wait3A_598, %dma_wait3A_599] : memref<512x48xf32, #tpu.memory_space<vmem>> -> memref<128x48xf32, #tpu.memory_space<vmem>>
    %dma_wait3A_601 = arith.constant 0 : i32
    %dma_wait3A_602 = tpu.memref_slice %arg7[%dma_wait3A_596, %dma_wait3A_597, %dma_wait3A_601] : memref<3x8x128xi32, #tpu.memory_space<vmem>> -> memref<1x1x128xi32, #tpu.memory_space<vmem>>
    %dma_wait3A_603 = tpu.memref_squeeze %dma_wait3A_602 : memref<1x1x128xi32, #tpu.memory_space<vmem>> -> memref<128xi32, #tpu.memory_space<vmem>>
    %dma_wait3A_604 = arith.constant 0 : i32
    %dma_wait3A_605 = arith.constant 0 : i32
    %dma_wait3A_606 = tpu.memref_slice %arg4[%dma_wait3A_604, %dma_wait3A_605] : memref<8192x48xf32, #tpu.memory_space<hbm>> -> memref<8192x48xf32, #tpu.memory_space<hbm>>
    tpu.wait_indirect_dma semaphore(%arg17 : memref<!tpu.dma_semaphore, #tpu.memory_space<semaphore_mem>>) src(%dma_wait3A_606 : memref<8192x48xf32, #tpu.memory_space<hbm>>) dst(%dma_wait3A_600 : memref<128x48xf32, #tpu.memory_space<vmem>>)
    %dma_wait3A_607 = arith.constant 2 : i32
    %dma_wait3A_608 = arith.constant 6 : i32
    %dma_wait3A_609 = arith.constant 256 : i32
    %dma_wait3A_610 = arith.constant 0 : i32
    %dma_wait3A_611 = tpu.memref_slice %arg11[%dma_wait3A_609, %dma_wait3A_610] : memref<512x48xf32, #tpu.memory_space<vmem>> -> memref<128x48xf32, #tpu.memory_space<vmem>>
    %dma_wait3A_612 = arith.constant 0 : i32
    %dma_wait3A_613 = tpu.memref_slice %arg7[%dma_wait3A_607, %dma_wait3A_608, %dma_wait3A_612] : memref<3x8x128xi32, #tpu.memory_space<vmem>> -> memref<1x1x128xi32, #tpu.memory_space<vmem>>
    %dma_wait3A_614 = tpu.memref_squeeze %dma_wait3A_613 : memref<1x1x128xi32, #tpu.memory_space<vmem>> -> memref<128xi32, #tpu.memory_space<vmem>>
    %dma_wait3A_615 = arith.constant 0 : i32
    %dma_wait3A_616 = arith.constant 0 : i32
    %dma_wait3A_617 = tpu.memref_slice %arg4[%dma_wait3A_615, %dma_wait3A_616] : memref<8192x48xf32, #tpu.memory_space<hbm>> -> memref<8192x48xf32, #tpu.memory_space<hbm>>
    tpu.wait_indirect_dma semaphore(%arg17 : memref<!tpu.dma_semaphore, #tpu.memory_space<semaphore_mem>>) src(%dma_wait3A_617 : memref<8192x48xf32, #tpu.memory_space<hbm>>) dst(%dma_wait3A_611 : memref<128x48xf32, #tpu.memory_space<vmem>>)
    %dma_wait3A_618 = arith.constant 2 : i32
    %dma_wait3A_619 = arith.constant 7 : i32
    %dma_wait3A_620 = arith.constant 384 : i32
    %dma_wait3A_621 = arith.constant 0 : i32
    %dma_wait3A_622 = tpu.memref_slice %arg11[%dma_wait3A_620, %dma_wait3A_621] : memref<512x48xf32, #tpu.memory_space<vmem>> -> memref<128x48xf32, #tpu.memory_space<vmem>>
    %dma_wait3A_623 = arith.constant 0 : i32
    %dma_wait3A_624 = tpu.memref_slice %arg7[%dma_wait3A_618, %dma_wait3A_619, %dma_wait3A_623] : memref<3x8x128xi32, #tpu.memory_space<vmem>> -> memref<1x1x128xi32, #tpu.memory_space<vmem>>
    %dma_wait3A_625 = tpu.memref_squeeze %dma_wait3A_624 : memref<1x1x128xi32, #tpu.memory_space<vmem>> -> memref<128xi32, #tpu.memory_space<vmem>>
    %dma_wait3A_626 = arith.constant 0 : i32
    %dma_wait3A_627 = arith.constant 0 : i32
    %dma_wait3A_628 = tpu.memref_slice %arg4[%dma_wait3A_626, %dma_wait3A_627] : memref<8192x48xf32, #tpu.memory_space<hbm>> -> memref<8192x48xf32, #tpu.memory_space<hbm>>
    tpu.wait_indirect_dma semaphore(%arg17 : memref<!tpu.dma_semaphore, #tpu.memory_space<semaphore_mem>>) src(%dma_wait3A_628 : memref<8192x48xf32, #tpu.memory_space<hbm>>) dst(%dma_wait3A_622 : memref<128x48xf32, #tpu.memory_space<vmem>>)
    %add3A_629 = arith.constant 512 : i32
    %add3A_630 = arith.addi %mul3A_32, %add3A_629 : i32
    %dma_start3A_631 = arith.constant 80 : i32
    %dma_start3A_632 = tpu.memref_slice %arg6[%select_n3A, %add3A_630, %dma_start3A_631] : memref<4x8192x128xf32, #tpu.memory_space<hbm>> -> memref<1x512x48xf32, #tpu.memory_space<hbm>>
    %dma_start3A_633 = tpu.memref_squeeze %dma_start3A_632 : memref<1x512x48xf32, #tpu.memory_space<hbm>> -> memref<512x48xf32, #tpu.memory_space<hbm>>
    %dma_start3A_634 = arith.constant 80 : i32
    %dma_start3A_635 = tpu.memref_slice %arg6[%select_n3A, %add3A_630, %dma_start3A_634] : memref<4x8192x128xf32, #tpu.memory_space<hbm>> -> memref<1x512x48xf32, #tpu.memory_space<hbm>>
    %dma_start3A_636 = tpu.memref_squeeze %dma_start3A_635 : memref<1x512x48xf32, #tpu.memory_space<hbm>> -> memref<512x48xf32, #tpu.memory_space<hbm>>
    tpu.enqueue_dma source(%arg11 : memref<512x48xf32, #tpu.memory_space<vmem>>) target(%dma_start3A_636 : memref<512x48xf32, #tpu.memory_space<hbm>>) target_semaphore(%arg21 : memref<!tpu.dma_semaphore, #tpu.memory_space<semaphore_mem>>)
    %dma_wait3A_637 = arith.constant 0 : i32
    %dma_wait3A_638 = tpu.memref_slice %arg6[%select_n3A, %add3A_270, %dma_wait3A_637] : memref<4x8192x128xf32, #tpu.memory_space<hbm>> -> memref<1x512x32xf32, #tpu.memory_space<hbm>>
    %dma_wait3A_639 = tpu.memref_squeeze %dma_wait3A_638 : memref<1x512x32xf32, #tpu.memory_space<hbm>> -> memref<512x32xf32, #tpu.memory_space<hbm>>
    %dma_wait3A_640 = arith.constant 0 : i32
    %dma_wait3A_641 = tpu.memref_slice %arg6[%select_n3A, %add3A_270, %dma_wait3A_640] : memref<4x8192x128xf32, #tpu.memory_space<hbm>> -> memref<1x512x32xf32, #tpu.memory_space<hbm>>
    %dma_wait3A_642 = tpu.memref_squeeze %dma_wait3A_641 : memref<1x512x32xf32, #tpu.memory_space<hbm>> -> memref<512x32xf32, #tpu.memory_space<hbm>>
    tpu.wait_dma2 semaphore(%arg18 : memref<!tpu.dma_semaphore, #tpu.memory_space<semaphore_mem>>) src(%arg8 : memref<512x32xf32, #tpu.memory_space<vmem>>) dst(%dma_wait3A_642 : memref<512x32xf32, #tpu.memory_space<hbm>>)
    %dma_wait3A_643 = arith.constant 0 : i32
    %dma_wait3A_644 = tpu.memref_slice %arg6[%select_n3A, %add3A_322, %dma_wait3A_643] : memref<4x8192x128xf32, #tpu.memory_space<hbm>> -> memref<1x512x32xf32, #tpu.memory_space<hbm>>
    %dma_wait3A_645 = tpu.memref_squeeze %dma_wait3A_644 : memref<1x512x32xf32, #tpu.memory_space<hbm>> -> memref<512x32xf32, #tpu.memory_space<hbm>>
    %dma_wait3A_646 = arith.constant 0 : i32
    %dma_wait3A_647 = tpu.memref_slice %arg6[%select_n3A, %add3A_322, %dma_wait3A_646] : memref<4x8192x128xf32, #tpu.memory_space<hbm>> -> memref<1x512x32xf32, #tpu.memory_space<hbm>>
    %dma_wait3A_648 = tpu.memref_squeeze %dma_wait3A_647 : memref<1x512x32xf32, #tpu.memory_space<hbm>> -> memref<512x32xf32, #tpu.memory_space<hbm>>
    tpu.wait_dma2 semaphore(%arg19 : memref<!tpu.dma_semaphore, #tpu.memory_space<semaphore_mem>>) src(%arg9 : memref<512x32xf32, #tpu.memory_space<vmem>>) dst(%dma_wait3A_648 : memref<512x32xf32, #tpu.memory_space<hbm>>)
    %dma_wait3A_649 = arith.constant 80 : i32
    %dma_wait3A_650 = tpu.memref_slice %arg6[%select_n3A, %add3A_578, %dma_wait3A_649] : memref<4x8192x128xf32, #tpu.memory_space<hbm>> -> memref<1x512x48xf32, #tpu.memory_space<hbm>>
    %dma_wait3A_651 = tpu.memref_squeeze %dma_wait3A_650 : memref<1x512x48xf32, #tpu.memory_space<hbm>> -> memref<512x48xf32, #tpu.memory_space<hbm>>
    %dma_wait3A_652 = arith.constant 80 : i32
    %dma_wait3A_653 = tpu.memref_slice %arg6[%select_n3A, %add3A_578, %dma_wait3A_652] : memref<4x8192x128xf32, #tpu.memory_space<hbm>> -> memref<1x512x48xf32, #tpu.memory_space<hbm>>
    %dma_wait3A_654 = tpu.memref_squeeze %dma_wait3A_653 : memref<1x512x48xf32, #tpu.memory_space<hbm>> -> memref<512x48xf32, #tpu.memory_space<hbm>>
    tpu.wait_dma2 semaphore(%arg20 : memref<!tpu.dma_semaphore, #tpu.memory_space<semaphore_mem>>) src(%arg10 : memref<512x48xf32, #tpu.memory_space<vmem>>) dst(%dma_wait3A_654 : memref<512x48xf32, #tpu.memory_space<hbm>>)
    %dma_wait3A_655 = arith.constant 80 : i32
    %dma_wait3A_656 = tpu.memref_slice %arg6[%select_n3A, %add3A_630, %dma_wait3A_655] : memref<4x8192x128xf32, #tpu.memory_space<hbm>> -> memref<1x512x48xf32, #tpu.memory_space<hbm>>
    %dma_wait3A_657 = tpu.memref_squeeze %dma_wait3A_656 : memref<1x512x48xf32, #tpu.memory_space<hbm>> -> memref<512x48xf32, #tpu.memory_space<hbm>>
    %dma_wait3A_658 = arith.constant 80 : i32
    %dma_wait3A_659 = tpu.memref_slice %arg6[%select_n3A, %add3A_630, %dma_wait3A_658] : memref<4x8192x128xf32, #tpu.memory_space<hbm>> -> memref<1x512x48xf32, #tpu.memory_space<hbm>>
    %dma_wait3A_660 = tpu.memref_squeeze %dma_wait3A_659 : memref<1x512x48xf32, #tpu.memory_space<hbm>> -> memref<512x48xf32, #tpu.memory_space<hbm>>
    tpu.wait_dma2 semaphore(%arg21 : memref<!tpu.dma_semaphore, #tpu.memory_space<semaphore_mem>>) src(%arg11 : memref<512x48xf32, #tpu.memory_space<vmem>>) dst(%dma_wait3A_660 : memref<512x48xf32, #tpu.memory_space<hbm>>)
    return
  }
}

module attributes {stable_mosaic.version = 14 : i64} {
  func.func @_table_body(%arg0: i32, %arg1: memref<256x128xf32, #tpu.memory_space<vmem>>, %arg2: memref<384x128xf32, #tpu.memory_space<vmem>>, %arg3: memref<384x128xf32, #tpu.memory_space<vmem>>, %arg4: memref<256x128xf32, #tpu.memory_space<vmem>>, %arg5: memref<1x128xf32, #tpu.memory_space<vmem>>, %arg6: memref<1x128xf32, #tpu.memory_space<vmem>>, %arg7: memref<384x128xf32, #tpu.memory_space<vmem>>, %arg8: memref<384x128xf32, #tpu.memory_space<vmem>>, %arg9: memref<384x128xf32, #tpu.memory_space<vmem>>, %arg10: memref<384x128xf32, #tpu.memory_space<vmem>>) attributes {dimension_semantics = [#tpu.dimension_semantics<arbitrary>], iteration_bounds = array<i64: 8>, scalar_prefetch = 0 : i64, scratch_operands = 7 : i64, tpu.core_type = #tpu.core_type<tc>, window_params = [{transform_indices = @transform_0, window_bounds = array<i64: 256, 128>}, {transform_indices = @transform_1, window_bounds = array<i64: 384, 128>}, {transform_indices = @transform_2, window_bounds = array<i64: 384, 128>}]} {
    %eq3A = arith.constant 0 : i32
    %eq3A_0 = arith.cmpi eq, %arg0, %eq3A : i32
    %convert_element_type3A = arith.extui %eq3A_0 : i1 to i32
    %cond3A = arith.constant 0 : i32
    %cond3A_1 = arith.cmpi ne, %convert_element_type3A, %cond3A : i32
    scf.if %cond3A_1 {
      %iota3A = tpu.iota {dimensions = array<i32: 0>} : vector<256x128xi32>
      %iota3A_47 = tpu.iota {dimensions = array<i32: 1>} : vector<256x128xi32>
      %mul3A_48 = arith.constant 4 : i32
      %mul3A_49 = vector.broadcast %mul3A_48 : i32 to vector<256x128xi32>
      %mul3A_50 = arith.muli %iota3A, %mul3A_49 : vector<256x128xi32>
      %shift_right_arithmetic3A = arith.constant 5 : i32
      %shift_right_arithmetic3A_51 = vector.broadcast %shift_right_arithmetic3A : i32 to vector<256x128xi32>
      %shift_right_arithmetic3A_52 = arith.shrsi %iota3A_47, %shift_right_arithmetic3A_51 : vector<256x128xi32>
      %add3A_53 = arith.addi %mul3A_50, %shift_right_arithmetic3A_52 : vector<256x128xi32>
      %convert_element_type3A_54 = arith.sitofp %add3A_53 : vector<256x128xi32> to vector<256x128xf32>
      %swap3A_55 = arith.constant 0 : index
      %swap3A_56 = arith.constant 0 : index
      %swap3A_57 = vector.load %arg4[%swap3A_55, %swap3A_56] : memref<256x128xf32, #tpu.memory_space<vmem>>, vector<256x128xf32>
      tpu.vector_store %arg4[%swap3A_55, %swap3A_56], %convert_element_type3A_54 {strides = array<i32>} : memref<256x128xf32, #tpu.memory_space<vmem>>, vector<256x128xf32>,
      %iota3A_58 = tpu.iota {dimensions = array<i32: 1>} : vector<1x128xi32>
      %jit3A = arith.constant 32 : i32
      %eq3A_59 = arith.constant 0 : i32
      %eq3A_60 = arith.cmpi eq, %jit3A, %eq3A_59 : i32
      %jit3A_61 = arith.constant 1 : i32
      %select_n3A = arith.select %eq3A_60, %jit3A_61, %jit3A : i32
      %rem3A = vector.broadcast %select_n3A : i32 to vector<1x128xi32>
      %rem3A_62 = arith.remsi %iota3A_58, %rem3A : vector<1x128xi32>
      %ne3A = arith.constant 0 : i32
      %ne3A_63 = vector.broadcast %ne3A : i32 to vector<1x128xi32>
      %ne3A_64 = arith.cmpi ne, %rem3A_62, %ne3A_63 : vector<1x128xi32>
      %lt3A = arith.constant 0 : i32
      %lt3A_65 = vector.broadcast %lt3A : i32 to vector<1x128xi32>
      %lt3A_66 = arith.cmpi slt, %rem3A_62, %lt3A_65 : vector<1x128xi32>
      %lt3A_67 = arith.constant 0 : i32
      %lt3A_68 = arith.cmpi slt, %select_n3A, %lt3A_67 : i32
      %ne3A_69 = vector.broadcast %lt3A_68 : i1 to vector<1x128xi1>
      %ne3A_70 = vector.broadcast %ne3A_69 : vector<1x128xi1> to vector<1x128xi1>
      %ne3A_71 = arith.xori %lt3A_66, %ne3A_70 : vector<1x128xi1>
      %and3A = arith.andi %ne3A_71, %ne3A_64 : vector<1x128xi1>
      %add3A_72 = vector.broadcast %select_n3A : i32 to vector<1x128xi32>
      %add3A_73 = arith.addi %rem3A_62, %add3A_72 : vector<1x128xi32>
      %select_n3A_74 = arith.select %and3A, %add3A_73, %rem3A_62 : vector<1x128xi1>, vector<1x128xi32>
      %shift_right_arithmetic3A_75 = arith.constant 1 : i32
      %shift_right_arithmetic3A_76 = vector.broadcast %shift_right_arithmetic3A_75 : i32 to vector<1x128xi32>
      %shift_right_arithmetic3A_77 = arith.shrsi %select_n3A_74, %shift_right_arithmetic3A_76 : vector<1x128xi32>
      %convert_element_type3A_78 = arith.sitofp %shift_right_arithmetic3A_77 : vector<1x128xi32> to vector<1x128xf32>
      %mul3A_79 = arith.constant -0.14391157 : f32
      %mul3A_80 = vector.broadcast %mul3A_79 : f32 to vector<1x128xf32>
      %mul3A_81 = arith.mulf %convert_element_type3A_78, %mul3A_80 : vector<1x128xf32>
      %exp3A = math.exp %mul3A_81 : vector<1x128xf32>
      %swap3A_82 = arith.constant 0 : index
      %swap3A_83 = arith.constant 0 : index
      %swap3A_84 = vector.load %arg5[%swap3A_82, %swap3A_83] : memref<1x128xf32, #tpu.memory_space<vmem>>, vector<1x128xf32>
      tpu.vector_store %arg5[%swap3A_82, %swap3A_83], %exp3A {strides = array<i32>} : memref<1x128xf32, #tpu.memory_space<vmem>>, vector<1x128xf32>,
      %jit3A_85 = arith.constant 2 : i32
      %eq3A_86 = arith.constant 0 : i32
      %eq3A_87 = arith.cmpi eq, %jit3A_85, %eq3A_86 : i32
      %jit3A_88 = arith.constant 1 : i32
      %select_n3A_89 = arith.select %eq3A_87, %jit3A_88, %jit3A_85 : i32
      %rem3A_90 = vector.broadcast %select_n3A_89 : i32 to vector<1x128xi32>
      %rem3A_91 = arith.remsi %select_n3A_74, %rem3A_90 : vector<1x128xi32>
      %ne3A_92 = arith.constant 0 : i32
      %ne3A_93 = vector.broadcast %ne3A_92 : i32 to vector<1x128xi32>
      %ne3A_94 = arith.cmpi ne, %rem3A_91, %ne3A_93 : vector<1x128xi32>
      %lt3A_95 = arith.constant 0 : i32
      %lt3A_96 = vector.broadcast %lt3A_95 : i32 to vector<1x128xi32>
      %lt3A_97 = arith.cmpi slt, %rem3A_91, %lt3A_96 : vector<1x128xi32>
      %lt3A_98 = arith.constant 0 : i32
      %lt3A_99 = arith.cmpi slt, %select_n3A_89, %lt3A_98 : i32
      %ne3A_100 = vector.broadcast %lt3A_99 : i1 to vector<1x128xi1>
      %ne3A_101 = vector.broadcast %ne3A_100 : vector<1x128xi1> to vector<1x128xi1>
      %ne3A_102 = arith.xori %lt3A_97, %ne3A_101 : vector<1x128xi1>
      %and3A_103 = arith.andi %ne3A_102, %ne3A_94 : vector<1x128xi1>
      %add3A_104 = vector.broadcast %select_n3A_89 : i32 to vector<1x128xi32>
      %add3A_105 = arith.addi %rem3A_91, %add3A_104 : vector<1x128xi32>
      %select_n3A_106 = arith.select %and3A_103, %add3A_105, %rem3A_91 : vector<1x128xi1>, vector<1x128xi32>
      %convert_element_type3A_107 = arith.sitofp %select_n3A_106 : vector<1x128xi32> to vector<1x128xf32>
      %mul3A_108 = arith.constant 1.57079637 : f32
      %mul3A_109 = vector.broadcast %mul3A_108 : f32 to vector<1x128xf32>
      %mul3A_110 = arith.mulf %convert_element_type3A_107, %mul3A_109 : vector<1x128xf32>
      %swap3A_111 = arith.constant 0 : index
      %swap3A_112 = arith.constant 0 : index
      %swap3A_113 = vector.load %arg6[%swap3A_111, %swap3A_112] : memref<1x128xf32, #tpu.memory_space<vmem>>, vector<1x128xf32>
      tpu.vector_store %arg6[%swap3A_111, %swap3A_112], %mul3A_110 {strides = array<i32>} : memref<1x128xf32, #tpu.memory_space<vmem>>, vector<1x128xf32>,
      %iota3A_114 = tpu.iota {dimensions = array<i32: 0>} : vector<384x128xi32>
      %iota3A_115 = tpu.iota {dimensions = array<i32: 1>} : vector<384x128xi32>
      %mul3A_116 = arith.constant 21846 : i32
      %mul3A_117 = vector.broadcast %mul3A_116 : i32 to vector<384x128xi32>
      %mul3A_118 = arith.muli %iota3A_114, %mul3A_117 : vector<384x128xi32>
      %shift_right_arithmetic3A_119 = arith.constant 16 : i32
      %shift_right_arithmetic3A_120 = vector.broadcast %shift_right_arithmetic3A_119 : i32 to vector<384x128xi32>
      %shift_right_arithmetic3A_121 = arith.shrsi %mul3A_118, %shift_right_arithmetic3A_120 : vector<384x128xi32>
      %mul3A_122 = arith.constant 3 : i32
      %mul3A_123 = vector.broadcast %mul3A_122 : i32 to vector<384x128xi32>
      %mul3A_124 = arith.muli %shift_right_arithmetic3A_121, %mul3A_123 : vector<384x128xi32>
      %sub3A_125 = arith.subi %iota3A_114, %mul3A_124 : vector<384x128xi32>
      %mul3A_126 = arith.constant 128 : i32
      %mul3A_127 = vector.broadcast %mul3A_126 : i32 to vector<384x128xi32>
      %mul3A_128 = arith.muli %sub3A_125, %mul3A_127 : vector<384x128xi32>
      %add3A_129 = arith.addi %mul3A_128, %iota3A_115 : vector<384x128xi32>
      %mul3A_130 = arith.constant 1366 : i32
      %mul3A_131 = vector.broadcast %mul3A_130 : i32 to vector<384x128xi32>
      %mul3A_132 = arith.muli %add3A_129, %mul3A_131 : vector<384x128xi32>
      %shift_right_arithmetic3A_133 = arith.constant 16 : i32
      %shift_right_arithmetic3A_134 = vector.broadcast %shift_right_arithmetic3A_133 : i32 to vector<384x128xi32>
      %shift_right_arithmetic3A_135 = arith.shrsi %mul3A_132, %shift_right_arithmetic3A_134 : vector<384x128xi32>
      %mul3A_136 = arith.constant 48 : i32
      %mul3A_137 = vector.broadcast %mul3A_136 : i32 to vector<384x128xi32>
      %mul3A_138 = arith.muli %shift_right_arithmetic3A_135, %mul3A_137 : vector<384x128xi32>
      %sub3A_139 = arith.subi %add3A_129, %mul3A_138 : vector<384x128xi32>
      %shift_right_arithmetic3A_140 = arith.constant 1 : i32
      %shift_right_arithmetic3A_141 = vector.broadcast %shift_right_arithmetic3A_140 : i32 to vector<384x128xi32>
      %shift_right_arithmetic3A_142 = arith.shrsi %sub3A_139, %shift_right_arithmetic3A_141 : vector<384x128xi32>
      %mul3A_143 = arith.constant 8 : i32
      %mul3A_144 = vector.broadcast %mul3A_143 : i32 to vector<384x128xi32>
      %mul3A_145 = arith.muli %shift_right_arithmetic3A_121, %mul3A_144 : vector<384x128xi32>
      %add3A_146 = arith.addi %mul3A_145, %shift_right_arithmetic3A_135 : vector<384x128xi32>
      %convert_element_type3A_147 = arith.sitofp %add3A_146 : vector<384x128xi32> to vector<384x128xf32>
      %swap3A_148 = arith.constant 0 : index
      %swap3A_149 = arith.constant 0 : index
      %swap3A_150 = vector.load %arg7[%swap3A_148, %swap3A_149] : memref<384x128xf32, #tpu.memory_space<vmem>>, vector<384x128xf32>
      tpu.vector_store %arg7[%swap3A_148, %swap3A_149], %convert_element_type3A_147 {strides = array<i32>} : memref<384x128xf32, #tpu.memory_space<vmem>>, vector<384x128xf32>,
      %add3A_151 = arith.constant 16 : i32
      %add3A_152 = vector.broadcast %add3A_151 : i32 to vector<384x128xi32>
      %add3A_153 = arith.addi %shift_right_arithmetic3A_142, %add3A_152 : vector<384x128xi32>
      %convert_element_type3A_154 = arith.sitofp %add3A_153 : vector<384x128xi32> to vector<384x128xf32>
      %mul3A_155 = arith.constant -0.14391157 : f32
      %mul3A_156 = vector.broadcast %mul3A_155 : f32 to vector<384x128xf32>
      %mul3A_157 = arith.mulf %convert_element_type3A_154, %mul3A_156 : vector<384x128xf32>
      %exp3A_158 = math.exp %mul3A_157 : vector<384x128xf32>
      %swap3A_159 = arith.constant 0 : index
      %swap3A_160 = arith.constant 0 : index
      %swap3A_161 = vector.load %arg8[%swap3A_159, %swap3A_160] : memref<384x128xf32, #tpu.memory_space<vmem>>, vector<384x128xf32>
      tpu.vector_store %arg8[%swap3A_159, %swap3A_160], %exp3A_158 {strides = array<i32>} : memref<384x128xf32, #tpu.memory_space<vmem>>, vector<384x128xf32>,
      %add3A_162 = arith.constant 40 : i32
      %add3A_163 = vector.broadcast %add3A_162 : i32 to vector<384x128xi32>
      %add3A_164 = arith.addi %shift_right_arithmetic3A_142, %add3A_163 : vector<384x128xi32>
      %convert_element_type3A_165 = arith.sitofp %add3A_164 : vector<384x128xi32> to vector<384x128xf32>
      %mul3A_166 = arith.constant -0.14391157 : f32
      %mul3A_167 = vector.broadcast %mul3A_166 : f32 to vector<384x128xf32>
      %mul3A_168 = arith.mulf %convert_element_type3A_165, %mul3A_167 : vector<384x128xf32>
      %exp3A_169 = math.exp %mul3A_168 : vector<384x128xf32>
      %swap3A_170 = arith.constant 0 : index
      %swap3A_171 = arith.constant 0 : index
      %swap3A_172 = vector.load %arg9[%swap3A_170, %swap3A_171] : memref<384x128xf32, #tpu.memory_space<vmem>>, vector<384x128xf32>
      tpu.vector_store %arg9[%swap3A_170, %swap3A_171], %exp3A_169 {strides = array<i32>} : memref<384x128xf32, #tpu.memory_space<vmem>>, vector<384x128xf32>,
      %jit3A_173 = arith.constant 2 : i32
      %eq3A_174 = arith.constant 0 : i32
      %eq3A_175 = arith.cmpi eq, %jit3A_173, %eq3A_174 : i32
      %jit3A_176 = arith.constant 1 : i32
      %select_n3A_177 = arith.select %eq3A_175, %jit3A_176, %jit3A_173 : i32
      %rem3A_178 = vector.broadcast %select_n3A_177 : i32 to vector<384x128xi32>
      %rem3A_179 = arith.remsi %sub3A_139, %rem3A_178 : vector<384x128xi32>
      %ne3A_180 = arith.constant 0 : i32
      %ne3A_181 = vector.broadcast %ne3A_180 : i32 to vector<384x128xi32>
      %ne3A_182 = arith.cmpi ne, %rem3A_179, %ne3A_181 : vector<384x128xi32>
      %lt3A_183 = arith.constant 0 : i32
      %lt3A_184 = vector.broadcast %lt3A_183 : i32 to vector<384x128xi32>
      %lt3A_185 = arith.cmpi slt, %rem3A_179, %lt3A_184 : vector<384x128xi32>
      %lt3A_186 = arith.constant 0 : i32
      %lt3A_187 = arith.cmpi slt, %select_n3A_177, %lt3A_186 : i32
      %ne3A_188 = vector.broadcast %lt3A_187 : i1 to vector<384x128xi1>
      %ne3A_189 = vector.broadcast %ne3A_188 : vector<384x128xi1> to vector<384x128xi1>
      %ne3A_190 = arith.xori %lt3A_185, %ne3A_189 : vector<384x128xi1>
      %and3A_191 = arith.andi %ne3A_190, %ne3A_182 : vector<384x128xi1>
      %add3A_192 = vector.broadcast %select_n3A_177 : i32 to vector<384x128xi32>
      %add3A_193 = arith.addi %rem3A_179, %add3A_192 : vector<384x128xi32>
      %select_n3A_194 = arith.select %and3A_191, %add3A_193, %rem3A_179 : vector<384x128xi1>, vector<384x128xi32>
      %convert_element_type3A_195 = arith.sitofp %select_n3A_194 : vector<384x128xi32> to vector<384x128xf32>
      %mul3A_196 = arith.constant 1.57079637 : f32
      %mul3A_197 = vector.broadcast %mul3A_196 : f32 to vector<384x128xf32>
      %mul3A_198 = arith.mulf %convert_element_type3A_195, %mul3A_197 : vector<384x128xf32>
      %swap3A_199 = arith.constant 0 : index
      %swap3A_200 = arith.constant 0 : index
      %swap3A_201 = vector.load %arg10[%swap3A_199, %swap3A_200] : memref<384x128xf32, #tpu.memory_space<vmem>>, vector<384x128xf32>
      tpu.vector_store %arg10[%swap3A_199, %swap3A_200], %mul3A_198 {strides = array<i32>} : memref<384x128xf32, #tpu.memory_space<vmem>>, vector<384x128xf32>,
    } else {
    }
    %mul3A = arith.constant 1024 : i32
    %mul3A_2 = arith.muli %arg0, %mul3A : i32
    %convert_element_type3A_3 = arith.sitofp %mul3A_2 : i32 to f32
    %get3A = arith.constant 0 : index
    %get3A_4 = arith.constant 0 : index
    %get3A_5 = vector.load %arg4[%get3A, %get3A_4] : memref<256x128xf32, #tpu.memory_space<vmem>>, vector<256x128xf32>
    %add3A = vector.broadcast %convert_element_type3A_3 : f32 to vector<256x128xf32>
    %add3A_6 = arith.addf %get3A_5, %add3A : vector<256x128xf32>
    %get3A_7 = arith.constant 0 : index
    %get3A_8 = arith.constant 0 : index
    %get3A_9 = vector.load %arg5[%get3A_7, %get3A_8] : memref<1x128xf32, #tpu.memory_space<vmem>>, vector<1x128xf32>
    %mul3A_10 = vector.broadcast %get3A_9 : vector<1x128xf32> to vector<256x128xf32>
    %mul3A_11 = arith.mulf %add3A_6, %mul3A_10 : vector<256x128xf32>
    %get3A_12 = arith.constant 0 : index
    %get3A_13 = arith.constant 0 : index
    %get3A_14 = vector.load %arg6[%get3A_12, %get3A_13] : memref<1x128xf32, #tpu.memory_space<vmem>>, vector<1x128xf32>
    %sub3A = vector.broadcast %get3A_14 : vector<1x128xf32> to vector<256x128xf32>
    %sub3A_15 = arith.subf %mul3A_11, %sub3A : vector<256x128xf32>
    %cos3A = math.cos %sub3A_15 : vector<256x128xf32>
    %swap3A = arith.constant 0 : index
    %swap3A_16 = arith.constant 0 : index
    %swap3A_17 = vector.load %arg1[%swap3A, %swap3A_16] : memref<256x128xf32, #tpu.memory_space<vmem>>, vector<256x128xf32>
    tpu.vector_store %arg1[%swap3A, %swap3A_16], %cos3A {strides = array<i32>} : memref<256x128xf32, #tpu.memory_space<vmem>>, vector<256x128xf32>,
    %get3A_18 = arith.constant 0 : index
    %get3A_19 = arith.constant 0 : index
    %get3A_20 = vector.load %arg7[%get3A_18, %get3A_19] : memref<384x128xf32, #tpu.memory_space<vmem>>, vector<384x128xf32>
    %add3A_21 = vector.broadcast %convert_element_type3A_3 : f32 to vector<384x128xf32>
    %add3A_22 = arith.addf %get3A_20, %add3A_21 : vector<384x128xf32>
    %get3A_23 = arith.constant 0 : index
    %get3A_24 = arith.constant 0 : index
    %get3A_25 = vector.load %arg8[%get3A_23, %get3A_24] : memref<384x128xf32, #tpu.memory_space<vmem>>, vector<384x128xf32>
    %mul3A_26 = arith.mulf %add3A_22, %get3A_25 : vector<384x128xf32>
    %get3A_27 = arith.constant 0 : index
    %get3A_28 = arith.constant 0 : index
    %get3A_29 = vector.load %arg10[%get3A_27, %get3A_28] : memref<384x128xf32, #tpu.memory_space<vmem>>, vector<384x128xf32>
    %sub3A_30 = arith.subf %mul3A_26, %get3A_29 : vector<384x128xf32>
    %cos3A_31 = math.cos %sub3A_30 : vector<384x128xf32>
    %swap3A_32 = arith.constant 0 : index
    %swap3A_33 = arith.constant 0 : index
    %swap3A_34 = vector.load %arg2[%swap3A_32, %swap3A_33] : memref<384x128xf32, #tpu.memory_space<vmem>>, vector<384x128xf32>
    tpu.vector_store %arg2[%swap3A_32, %swap3A_33], %cos3A_31 {strides = array<i32>} : memref<384x128xf32, #tpu.memory_space<vmem>>, vector<384x128xf32>,
    %get3A_35 = arith.constant 0 : index
    %get3A_36 = arith.constant 0 : index
    %get3A_37 = vector.load %arg9[%get3A_35, %get3A_36] : memref<384x128xf32, #tpu.memory_space<vmem>>, vector<384x128xf32>
    %mul3A_38 = arith.mulf %add3A_22, %get3A_37 : vector<384x128xf32>
    %get3A_39 = arith.constant 0 : index
    %get3A_40 = arith.constant 0 : index
    %get3A_41 = vector.load %arg10[%get3A_39, %get3A_40] : memref<384x128xf32, #tpu.memory_space<vmem>>, vector<384x128xf32>
    %sub3A_42 = arith.subf %mul3A_38, %get3A_41 : vector<384x128xf32>
    %cos3A_43 = math.cos %sub3A_42 : vector<384x128xf32>
    %swap3A_44 = arith.constant 0 : index
    %swap3A_45 = arith.constant 0 : index
    %swap3A_46 = vector.load %arg3[%swap3A_44, %swap3A_45] : memref<384x128xf32, #tpu.memory_space<vmem>>, vector<384x128xf32>
    tpu.vector_store %arg3[%swap3A_44, %swap3A_45], %cos3A_43 {strides = array<i32>} : memref<384x128xf32, #tpu.memory_space<vmem>>, vector<384x128xf32>,
    return
  }
  func.func @transform_0(%arg0: i32) -> (i32, i32) {
    %c0_i32 = arith.constant 0 : i32
    %c0_i32_0 = arith.constant 0 : i32
    return %arg0, %c0_i32 : i32, i32
  }
  func.func @transform_1(%arg0: i32) -> (i32, i32) {
    %c0_i32 = arith.constant 0 : i32
    %c0_i32_0 = arith.constant 0 : i32
    return %arg0, %c0_i32 : i32, i32
  }
  func.func @transform_2(%arg0: i32) -> (i32, i32) {
    %c0_i32 = arith.constant 0 : i32
    %c0_i32_0 = arith.constant 0 : i32
    return %arg0, %c0_i32 : i32, i32
  }
}

</mosaic_0001>

<sc_bundles>
// kernel: kernel.4.cloned.1.call-start
scs
__scs_entry_jumppad:
0x0: {  	(pc) =	sbr.rel $0x88, $3  }
0x1: {  	(tag) =	ssettag $0x0;
	lr =	simm.s32 $0x1  }
0x2: {  	[smem:$0x3F9F] =	sst lr;
	_ =	strace $0xD0000000  }
0x3: {  	_ = 	snop  }
0x4: {  	_ = 	snop  }
0x5: {  	_ = 	snop  }
0x6: {  	_ = 	snop  }
0x7: {  	_ = 	snop  }
__scs_overlays_trampoline_lowered:
0x8: {  	[smem:$0x3FAE] =	sst s0  }
0x9: {  	[smem:$0x3FAF] =	sst s1  }
0xa: {  	[smem:$0x3FB0] =	sst s2  }
0xb: {  	[smem:$0x3FB1] =	sst s3  }
0xc: {  	[smem:$0x3FB2] =	sst s4  }
0xd: {  	[smem:$0x3FB3] =	sst s5  }
0xe: {  	[smem:$0x3FB4] =	sst s6  }
0xf: {  	[smem:$0x3FB5] =	sst s7  }
0x10: {  	[smem:$0x3FB6] =	sst s8  }
0x11: {  	[smem:$0x3FB7] =	sst s9;
	s0 =	simm.s32 @!p0 $0x0  }
0x12: {  	s1 =	sld [smem:$0x3F9D];
	s0 =	simm.s32 @p0 $0x1  }
0x13: {  	[smem:$0x3FB8] =	sst s0;
	s0 =	simm.s32 @!p1 $0x0  }
0x14: {  	s2 =	sld [smem:$0x3F9C];
	s0 =	simm.s32 @p1 $0x1  }
0x15: {  	[smem:$0x3FB9] =	sst s0;
	s0 =	simm.s32 @!p2 $0x0  }
0x16: {  	s3 =	sld [smem:$0x3FDB];
	s0 =	simm.s32 @p2 $0x1  }
0x17: {  	s4 =	simm.s32 $0x1BF5;
	[smem:$0x3FBB] =	sst s0  }
0x18: {  	s0 =	sld [smem:$0x3F9E];
	_ =	swait.ge [sflag:s4], $0x0  }
0x19: {  	s7 =	sld [smem:$0x3F9F]  }
0x1a: {  	s8 =	sadd.s32 $0xFFFFE003, lr  }
0x1b: {  	s9 =	sadd.s32 $0xFFFFFEF7, lr;
	s5 =	simm.s32 $0xFFFFFFFF;
	p2 =	slt.u32 s8, $0xFFFFF086  }
0x1c: {  	p1 =	slt.u32 s9, $0xF7A;
	s5 =	simm.s32 @!p2 $0x0  }
0x1d: {  	s5 =	simm.s32 @p1 $0x1;
	p0 =	seq.s32 s7, s2  }
0x1e: {  	s7 =	smul.u32 @!p0 $0xF7A, s2;
	p2 =	seq.s32 @!p0 s5, $0x0  }
0x1f: {  	s9 =	smul.u32 $0xF7A, s1;
	s8 =	simm.s32 @!p0 $0x1BF5;
	p2 =	por !p2, p0  }
0x20: {  	[sflag:s8] =	ssyncset.s32 @!p0 $0xFFFFF086;
	s6 =	sadd.s32 @!p0 s3, s7;
	s7 =	simm.s32 @!p0 $0x108  }
0x21: {  	s3 =	sadd.s32 s3, s9;
	s6 =	sadd.s32 @!p0 $0x88, s6;
	s7 =	simm.s32 @p2 $0x1082  }
0x22: {  	[simem:s7], [sflag:s8] =	dma.local @!p0 [hbm:s6], $0xF7A  }
0x23: {  	s9 =	sor.u32 $0xD0000000, s2;
	s6 =	simm.s32 $0x108;
	_ =	swait.ge @!p0 [sflag:s8], $0x0  }
0x24: {  	s3 =	sadd.s32 $0x88, s3;
	s6 =	simm.s32 @!p1 $0x1082;
	[sflag:s4] =	ssyncset.s32 $0xFFFFF086  }
0x25: {  	[simem:s6], [sflag:s4] =	dma.local [hbm:s3], $0xF7A  }
0x26: {  	[smem:$0x3F9F] =	sst s1;
	(tag) =	ssettag s2;
	_ =	strace s9  }
0x27: {  	s1 =	sld [smem:$0x3FAF]  }
0x28: {  	s2 =	sld [smem:$0x3FB0]  }
0x29: {  	s4 =	sld [smem:$0x3FB2]  }
0x2a: {  	p0 =	seq.s32 s5, $0x0;
	s5 =	sld [smem:$0x3FB3]  }
0x2b: {  	s6 =	sld [smem:$0x3FB4]  }
0x2c: {  	s7 =	sld [smem:$0x3FB5]  }
0x2d: {  	s3 =	simm.s32 $0x108;
	s8 =	sld [smem:$0x3FB6]  }
0x2e: {  	s3 =	simm.s32 @!p0 $0x1082;
	s9 =	sld [smem:$0x3FB7]  }
0x2f: {  	lr =	sadd.s32 s0, s3;
	s0 =	sld [smem:$0x3FAE]  }
0x30: {  	s3 =	sld [smem:$0x3FB1]  }
0x31: {  	[smem:$0x3FBA] =	sst s10  }
0x32: {  	s10 =	sld [smem:$0x3FB8];
	_ =	sdelay $0x3  }
0x33: {  	p0 =	seq.s32 s10, $0x1;
	s10 =	sld [smem:$0x3FBA];
	_ =	sdelay $0x3  }
0x34: {  	[smem:$0x3FBA] =	sst s10  }
0x35: {  	s10 =	sld [smem:$0x3FB9];
	_ =	sdelay $0x3  }
0x36: {  	p1 =	seq.s32 s10, $0x1;
	s10 =	sld [smem:$0x3FBA];
	_ =	sdelay $0x3  }
0x37: {  	[smem:$0x3FBA] =	sst s10  }
0x38: {  	s10 =	sld [smem:$0x3FBB]  }
0x39: {  	_ = 	snop;
	(pc) =	sbr.ind lr, $3  }
0x3a: {  	_ = 	snop  }
0x3b: {  	_ = 	snop  }
0x3c: {  	p2 =	seq.s32 s10, $0x1;
	s10 =	sld [smem:$0x3FBA]  }
0x3d: {  	_ =	shalt  }
0x3e: {  	_ =	shalt  }
0x3f: {  	_ =	shalt  }
0x40: {  	_ =	shalt  }
0x41: {  	_ =	shalt  }
0x42: {  	_ =	shalt  }
0x43: {  	_ =	shalt  }
0x44: {  	_ =	shalt  }
0x45: {  	_ =	shalt  }
0x46: {  	_ =	shalt  }
0x47: {  	_ =	shalt  }
0x48: {  	_ =	shalt  }
0x49: {  	_ =	shalt  }
0x4a: {  	_ =	shalt  }
0x4b: {  	_ =	shalt  }
0x4c: {  	_ =	shalt  }
0x4d: {  	_ =	shalt  }
0x4e: {  	_ =	shalt  }
0x4f: {  	_ =	shalt  }
0x50: {  	_ =	shalt  }
0x51: {  	_ =	shalt  }
0x52: {  	_ =	shalt  }
0x53: {  	_ =	shalt  }
0x54: {  	_ =	shalt  }
0x55: {  	_ =	shalt  }
0x56: {  	_ =	shalt  }
0x57: {  	_ =	shalt  }
0x58: {  	_ =	shalt  }
0x59: {  	_ =	shalt  }
0x5a: {  	_ =	shalt  }
0x5b: {  	_ =	shalt  }
0x5c: {  	_ =	shalt  }
0x5d: {  	_ =	shalt  }
0x5e: {  	_ =	shalt  }
0x5f: {  	_ =	shalt  }
0x60: {  	_ =	shalt  }
0x61: {  	_ =	shalt  }
0x62: {  	_ =	shalt  }
0x63: {  	_ =	shalt  }
0x64: {  	_ =	shalt  }
0x65: {  	_ =	shalt  }
0x66: {  	_ =	shalt  }
0x67: {  	_ =	shalt  }
0x68: {  	_ =	shalt  }
0x69: {  	_ =	shalt  }
0x6a: {  	_ =	shalt  }
0x6b: {  	_ =	shalt  }
0x6c: {  	_ =	shalt  }
0x6d: {  	_ =	shalt  }
0x6e: {  	_ =	shalt  }
0x6f: {  	_ =	shalt  }
0x70: {  	_ =	shalt  }
0x71: {  	_ =	shalt  }
0x72: {  	_ =	shalt  }
0x73: {  	_ =	shalt  }
0x74: {  	_ =	shalt  }
0x75: {  	_ =	shalt  }
0x76: {  	_ =	shalt  }
0x77: {  	_ =	shalt  }
0x78: {  	_ =	shalt  }
0x79: {  	_ =	shalt  }
0x7a: {  	_ =	shalt  }
0x7b: {  	_ =	shalt  }
0x7c: {  	_ =	shalt  }
0x7d: {  	_ =	shalt  }
0x7e: {  	_ =	shalt  }
0x7f: {  	_ =	shalt  }
0x80: {  	_ =	shalt  }
0x81: {  	_ =	shalt  }
0x82: {  	_ =	shalt  }
0x83: {  	_ =	shalt  }
0x84: {  	_ =	shalt  }
0x85: {  	_ =	shalt  }
0x86: {  	_ =	shalt  }
0x87: {  	_ =	shalt  }
.Lfunc_end0:
.L_simem_size_0:
called_computation_lowered:
.L_overlay_start_0:
0x88: {  	s2 =	sld [smem:$0x3FD9]  }
0x89: {  	s3 =	sld [smem:$0x3FFE];
	_ =	sdelay $0x1  }
0x8a: {  	s1 =	srdreg.scid  }
0x8b: {  	s0 =	sand.u32 $0x1, s1  }
0x8c: {  	s14 =	sshll.u32 s0, $0xA;
	s2 =	sadd.s32 s3, s2  }
0x8d: {  	s2 =	sadd.s32 s2, s14  }
0x8e: {  	[smem:$0x3FC6] =	sst s2  }
0x8f: {  	_ = 	snop  }
0x90: {  	s2 =	sld [smem:$0x3FD0];
	_ =	sdelay $0x2  }
0x91: {  	s15 =	simm.s32 $0xA;
	s4 =	simm.s32 $0x10  }
0x92: {  	[smem:s4], [sflag:s15] =	dma.local [hbm:s2], $0x1  }
0x93: {  	_ =	swait.eq [sflag:s15], $0x1  }
0x94: {  	[sflag:s15] =	ssyncset.done $0x0  }
0x95: {  	[sflag:s15] =	ssyncadd.s32 $0xFFFFFFFF  }
0x96: {  	s16 =	sld [smem:$0x10];
	(tm) =	ssettm $0x1  }
0x97: {  	s17 =	sld [smem:$0x3FFB];
	_ =	sdelay $0x3  }
0x98: {  	_ =	strace s17  }
0x99: {  	s3 =	sld [smem:$0x3FFC];
	_ =	sdelay $0x3  }
0x9a: {  	_ =	strace s3  }
0x9b: {  	s3 =	sld [smem:$0x3FFD];
	_ =	sdelay $0x3  }
0x9c: {  	_ =	strace s3  }
0x9d: {  	_ =	strace $0x8FFFFFFF  }
0x9e: {  	s18 =	sld [smem:$0x3FDB];
	_ =	sdelay $0x1  }
0x9f: {  	s19 =	simm.s32 $_scs_section_size  }
0xa0: {  	s5 =	simm.s32 $_size__tile_overlayer_lowered;
	s6 =	simm.s32 $_tile_overlayer_lowered  }
0xa1: {  	s22 =	simm.s32 $0x1BFF;
	s21 =	sshll.u32 s6, $0x1;
	s3 =	sadd.s32 s19, s18  }
0xa2: {  	s7 =	simm.s32 $0x0;
	s20 =	sshll.u32 s5, $0x1;
	s5 =	sadd.s32 s21, s3  }
0xa3: {  	[timem:s7], [sflag:s22] =	dma.local [hbm:s5], s20  }
0xa4: {  	_ =	swait.ge [sflag:s22], s20  }
0xa5: {  	s4 =	ssub.s32 $0x0, s20;
	[sflag:s22] =	ssyncset.done $0x0  }
0xa6: {  	[sflag:s22] =	ssyncadd.s32 s4;
	_ =	sdelay $0x1  }
0xa7: {  	s23 =	simm.s32 $0x1B8B  }
0xa8: {  	_ =	swait.ge [sflag:s23], $0x1  }
0xa9: {  	[sflag:s23] =	ssyncset.done $0x0  }
0xaa: {  	s25 =	simm.s32 $0x1B8E;
	s24 =	sld [smem:$0x3FFE];
	[sflag:s23] =	ssyncadd.s32 $0xFFFFFFFF  }
0xab: {  	s26 =	simm.s32 $execute0_lowered;
	[smem:$0x3FD2] =	sst s25  }
0xac: {  	s5 =	sshll.u32 s26, $0x1;
	_ =	strace $0x80000046;
	[dreg:$0x1] =	wrdreg $0xFFFFFFFF  }
0xad: {  	s28 =	simm.s32 $_size_execute0_lowered;
	s3 =	sadd.s32 s3, s5;
	[dreg:$0x0] =	wrdreg $0x0  }
0xae: {  	s5 =	sshll.u32 s28, $0x1;
	[dreg:$0x2] =	wrdreg s3  }
0xaf: {  	[dreg:$0x3] =	wrdreg s5  }
0xb0: {  	[dreg:$0x4] =	wrdreg $0xC0  }
0xb1: {  	_ =	task [dreg:s7], $0x5FFFF  }
0xb2: {  	[dreg:$0x1] =	wrdreg $0xFFFFFFFF  }
0xb3: {  	[dreg:$0x0] =	wrdreg $0x60  }
0xb4: {  	[dreg:$0x2] =	wrdreg s24  }
0xb5: {  	[dreg:$0x3] =	wrdreg s16  }
0xb6: {  	[dreg:$0x4] =	wrdreg $0x9  }
0xb7: {  	_ =	task.clear_ibuf [dreg:s7], $0x5FFFF;
	_ =	strace $0x90000046  }
0xb8: {  	s29 =	simm.s32 $0x9;
	_ =	strace $0x80000048  }
0xb9: {  	_ =	swait.ge [sflag:s29], $0x1  }
0xba: {  	[sflag:s29] =	ssyncadd.s32 $0xFFFFFFFF  }
0xbb: {  	_ =	strace $0x90000048  }
0xbc: {  	_ =	sfence  }
0xbd: {  	s30 =	sld [smem:$0x0];
	_ =	sdelay $0x2  }
0xbe: {  	s31 =	sshll.u32 s1, $0xD;
	s1 =	sshrl.u32 s1, $0x2  }
0xbf: {  	s3 =	sand.u32 $0x4000, s31;
	s1 =	sadd.s32 s1, s30  }
0xc0: {  	s0 =	sor.u32 s3, s0;
	s1 =	sshll.u32 s1, $0x11  }
0xc1: {  	s0 =	sor.u32 s1, s0  }
0xc2: {  	s0 =	sadd.s32 $0x8F2B, s0  }
0xc3: {  	[sflag:s0] =	ssyncadd.remote.s32 $0x1  }
0xc4: {  	_ =	sfence.sel $0xFFFF  }
0xc5: {  	[dreg:$0x0] =	wrdreg $0xFFFFFFFF;
	(pc) =	sbr.abs _section_cstart, $3  }
0xc6: {  	[dreg:$0x1] =	wrdreg $0xFFFFFFFF  }
0xc7: {  	_ =	task.clear_ibuf [dreg:s7], $0x2FFFF;
	_ =	strace $0x9FFFFFFF  }
0xc8: {  	(tm) =	ssettm $0x7FFFFFFF  }
0xc9: {  	_ =	shalt  }
tec
execute0_lowered:
.L_overlay_start_1:
0x0: {  	(tag) =	ssettag $0x1  }
0x1: {  	s0 =	stileid.u32  }
0x2: {  	s24 =	rddreg [dreg:$0x0];
	s2 =	sshll.u32 s0, $0x1;
	s4 =	sshrl.u32 s0, $0x2  }
0x3: {  	s0 =	simm.s32 $0x0;
	s3 =	sand.u32 $0x6, s2;
	s2 =	rddreg [dreg:$0x1]  }
0x4: {  	s11 =	simm.s32 $0x2000;
	[smem:$0x7FF] =	sst s0  }
0x5: {  	s12 =	simm.s32 $0x1C00;
	_ =	strace $0x80000047;
	[dreg:$0xa] =	wrdreg s11  }
0x6: {  	s13 =	simm.s32 $0x100;
	[dreg:$0xb] =	wrdreg s12  }
0x7: {  	s14 =	simm.s32 $0x2C00;
	[dreg:$0xc] =	wrdreg s13  }
0x8: {  	s15 =	simm.s32 $0x180;
	[dreg:$0xd] =	wrdreg s14  }
0x9: {  	s16 =	simm.s32 $0x3C00;
	[dreg:$0xe] =	wrdreg s15  }
0xa: {  	s17 =	simm.s32 $0x200;
	[dreg:$0xf] =	wrdreg s16  }
0xb: {  	s18 =	simm.s32 $0x280;
	[dreg:$0x10] =	wrdreg s17  }
0xc: {  	s19 =	simm.s32 $0x5C00;
	[dreg:$0x11] =	wrdreg s18  }
0xd: {  	s20 =	simm.s32 $0x300;
	[dreg:$0x12] =	wrdreg s19  }
0xe: {  	s21 =	simm.s32 $0x6C00;
	[dreg:$0x13] =	wrdreg s20  }
0xf: {  	[dreg:$0x14] =	wrdreg s21;
	s11 =	simm.s32 $0x900  }
0x10: {  	s1 =	srdreg.scid;
	s12 =	simm.s32 $0x980;
	[smem:$0x7F8] =	sst s11  }
0x11: {  	s1 =	sand.u32 $0x1, s1;
	s13 =	simm.s32 $0xA00;
	[smem:$0x7F9] =	sst s12  }
0x12: {  	s22 =	sadd.s32 $0x17E00, s24;
	s14 =	simm.s32 $0xA80;
	[smem:$0x7FA] =	sst s13  }
0x13: {  	s6 =	smul.u32 $0x6000, s4;
	s4 =	sshll.u32 s4, $0x11;
	[smem:$0x7FB] =	sst s14  }
0x14: {  	s5 =	sor.u32 s1, s3;
	s16 =	simm.s32 $0xB00;
	s17 =	rddreg [dreg:$0xa]  }
0x15: {  	s7 =	sshll.u32 s5, $0xA;
	s5 =	sshll.u32 s5, $0xE;
	[smem:$0x7FC] =	sst s16  }
0x16: {  	s6 =	sor.u32 s6, s7;
	s4 =	sor.u32 s4, s5;
	s7 =	simm.s32 $0x700  }
0x17: {  	s26 =	sadd.s32 $0x17E04, s24;
	s5 =	sadd.s32 s22, s4;
	[dreg:$0x1c] =	wrdreg s7  }
0x18: {  	s9 =	sadd.s32 $0x17E0A, s24;
	s3 =	sadd.s32 s4, s26;
	[dreg:$0x4] =	wrdreg s5  }
0x19: {  	s23 =	sor.u32 $0x2000, s4;
	s4 =	sadd.s32 s4, s9;
	[dreg:$0x6] =	wrdreg s3  }
0x1a: {  	s25 =	sadd.s32 s22, s23;
	[dreg:$0x8] =	wrdreg s4  }
0x1b: {  	s8 =	sadd.s32 s23, s26;
	[dreg:$0x5] =	wrdreg s25  }
0x1c: {  	s10 =	sadd.s32 s23, s9;
	[dreg:$0x7] =	wrdreg s8  }
0x1d: {  	s22 =	simm.s32 $0x380;
	[dreg:$0x9] =	wrdreg s10  }
0x1e: {  	s23 =	simm.s32 $0x7C00;
	[dreg:$0x15] =	wrdreg s22  }
0x1f: {  	s26 =	simm.s32 $0x500;
	[dreg:$0x16] =	wrdreg s23  }
0x20: {  	s3 =	simm.s32 $0x580;
	[dreg:$0x18] =	wrdreg s26  }
0x21: {  	s6 =	sshrl.u32 s6, $0x3;
	s5 =	simm.s32 $0x600;
	[dreg:$0x19] =	wrdreg s3  }
0x22: {  	s6 =	sadd.s32 s6, s24;
	s9 =	simm.s32 $0x800;
	[dreg:$0x1a] =	wrdreg s5  }
0x23: {  	s6 =	sadd.s32 $0x14E00, s6;
	[dreg:$0x1e] =	wrdreg s9  }
0x24: {  	s25 =	simm.s32 $0x480;
	[dreg:$0x3] =	wrdreg s6  }
0x25: {  	s8 =	simm.s32 $0x780;
	[dreg:$0x17] =	wrdreg s25  }
0x26: {  	s10 =	simm.s32 $0x880;
	[dreg:$0x1d] =	wrdreg s8  }
0x27: {  	s6 =	simm.s32 $0x680;
	[dreg:$0x1f] =	wrdreg s10  }
0x28: {  	[dreg:$0x1b] =	wrdreg s6  }
0x29: {  	s8 =	simm.s32 $0xB80;
	s15 =	rddreg [dreg:$0x3]  }
0x2a: {  	s18 =	simm.s32 $0x400;
	s5 =	simm.s32 $0xB;
	[smem:$0x7FD] =	sst s8  }
0x2b: {  	[tilespmem:s0], [sflag:$0xB] =	stream.strided.gather [hbm4b:s15+s18], $0xC00, s17, s18, $0x38;
	[tilespmem:$0x14C00] =	vst v63  }
0x2c: {  	_ =	swait.ge [sflag:s5], $0xC00  }
0x2d: {  	s10 =	rddreg [dreg:$0x16]  }
0x2e: {  	s11 =	rddreg [dreg:$0x14]  }
0x2f: {  	s7 =	simm.s32 $0x80;
	s12 =	rddreg [dreg:$0x10]  }
0x30: {  	s4 =	simm.s32 $0xC00;
	s9 =	rddreg [dreg:$0xc];
	[sflag:s5] =	ssyncset.done $0x0  }
0x31: {  	s6 =	sadd.s32 $0xCE00, s24;
	s13 =	rddreg [dreg:$0xd];
	[sflag:s5] =	ssyncadd.s32 $0xFFFFF400  }
0x32: {  	[tilespmem:s4], [sflag:$0x1] =	stream.indirect.gather [hbm4b:s6+s7], $0x20, s0, s7, $0xb8;
	[tilespmem:$0x14C00] =	vst v63  }
0x33: {  	s14 =	rddreg [dreg:$0xb]  }
0x34: {  	[tilespmem:s14], [sflag:$0x1] =	stream.indirect.gather [hbm4b:s6+s7], $0x20, s7, s7, $0xb8;
	[tilespmem:$0x14C00] =	vst v63  }
0x35: {  	s15 =	rddreg [dreg:$0xf]  }
0x36: {  	[tilespmem:s13], [sflag:$0x1] =	stream.indirect.gather [hbm4b:s6+s7], $0x20, s9, s7, $0xb8;
	[tilespmem:$0x14C00] =	vst v63  }
0x37: {  	s19 =	rddreg [dreg:$0xe]  }
0x38: {  	[tilespmem:s15], [sflag:$0x1] =	stream.indirect.gather [hbm4b:s6+s7], $0x20, s19, s7, $0xb8;
	[tilespmem:$0x14C00] =	vst v63  }
0x39: {  	s20 =	rddreg [dreg:$0x12];
	s0 =	simm.s32 $0x4C00  }
0x3a: {  	[tilespmem:s0], [sflag:$0x2] =	stream.indirect.gather [hbm4b:s6+s7], $0x20, s12, s7, $0xb8;
	[tilespmem:$0x14C00] =	vst v63  }
0x3b: {  	s21 =	rddreg [dreg:$0x11]  }
0x3c: {  	[tilespmem:s20], [sflag:$0x2] =	stream.indirect.gather [hbm4b:s6+s7], $0x20, s21, s7, $0xb8;
	[tilespmem:$0x14C00] =	vst v63  }
0x3d: {  	s22 =	rddreg [dreg:$0x13]  }
0x3e: {  	[tilespmem:s11], [sflag:$0x2] =	stream.indirect.gather [hbm4b:s6+s7], $0x20, s22, s7, $0xb8;
	[tilespmem:$0x14C00] =	vst v63  }
0x3f: {  	s23 =	rddreg [dreg:$0x15]  }
0x40: {  	[tilespmem:s10], [sflag:$0x2] =	stream.indirect.gather [hbm4b:s6+s7], $0x20, s23, s7, $0xb8;
	[tilespmem:$0x14C00] =	vst v63  }
0x41: {  	s10 =	simm.s32 $0x8C00  }
0x42: {  	[tilespmem:s10], [sflag:$0x3] =	stream.indirect.gather [hbm4b:s2+s7], $0x30, s18, s7, $0xb8;
	[tilespmem:$0x14C00] =	vst v63  }
0x43: {  	s3 =	simm.s32 $0xA400;
	s25 =	rddreg [dreg:$0x17]  }
0x44: {  	[tilespmem:s3], [sflag:$0x3] =	stream.indirect.gather [hbm4b:s2+s7], $0x30, s25, s7, $0xb8;
	[tilespmem:$0x14C00] =	vst v63  }
0x45: {  	s8 =	simm.s32 $0xBC00;
	s26 =	rddreg [dreg:$0x18]  }
0x46: {  	[tilespmem:s8], [sflag:$0x3] =	stream.indirect.gather [hbm4b:s2+s7], $0x30, s26, s7, $0xb8;
	[tilespmem:$0x14C00] =	vst v63  }
0x47: {  	s9 =	rddreg [dreg:$0x19];
	s11 =	simm.s32 $0xD400  }
0x48: {  	[tilespmem:s11], [sflag:$0x3] =	stream.indirect.gather [hbm4b:s2+s7], $0x30, s9, s7, $0xb8;
	[tilespmem:$0x14C00] =	vst v63  }
0x49: {  	s14 =	simm.s32 $0xEC00;
	s13 =	rddreg [dreg:$0x1a]  }
0x4a: {  	[tilespmem:s14], [sflag:$0x4] =	stream.indirect.gather [hbm4b:s2+s7], $0x30, s13, s7, $0xb8;
	[tilespmem:$0x14C00] =	vst v63  }
0x4b: {  	s16 =	rddreg [dreg:$0x1b];
	s15 =	simm.s32 $0x10400  }
0x4c: {  	[tilespmem:s15], [sflag:$0x4] =	stream.indirect.gather [hbm4b:s2+s7], $0x30, s16, s7, $0xb8;
	[tilespmem:$0x14C00] =	vst v63  }
0x4d: {  	s17 =	rddreg [dreg:$0x1c];
	s16 =	simm.s32 $0x11C00  }
0x4e: {  	[tilespmem:s16], [sflag:$0x4] =	stream.indirect.gather [hbm4b:s2+s7], $0x30, s17, s7, $0xb8;
	[tilespmem:$0x14C00] =	vst v63  }
0x4f: {  	s19 =	rddreg [dreg:$0x1d];
	s18 =	simm.s32 $0x1;
	s17 =	simm.s32 $0x13400  }
0x50: {  	[tilespmem:s17], [sflag:$0x4] =	stream.indirect.gather [hbm4b:s2+s7], $0x30, s19, s7, $0xb8;
	[tilespmem:$0x14C00] =	vst v63  }
0x51: {  	_ =	swait.ge [sflag:s18], $0x1000  }
0x52: {  	[sflag:s18] =	ssyncset.done $0x0  }
0x53: {  	[sflag:s18] =	ssyncadd.s32 $0xFFFFF000  }
0x54: {  	_ =	swait.ge [sflag:s18], $0x1000  }
0x55: {  	[sflag:s18] =	ssyncset.done $0x0  }
0x56: {  	[sflag:s18] =	ssyncadd.s32 $0xFFFFF000  }
0x57: {  	_ =	swait.ge [sflag:s18], $0x1000  }
0x58: {  	[sflag:s18] =	ssyncset.done $0x0  }
0x59: {  	[sflag:s18] =	ssyncadd.s32 $0xFFFFF000  }
0x5a: {  	_ =	swait.ge [sflag:s18], $0x1000  }
0x5b: {  	s20 =	simm.s32 $0x2;
	[sflag:s18] =	ssyncset.done $0x0  }
0x5c: {  	s19 =	simm.s32 $0x20;
	s21 =	rddreg [dreg:$0x4];
	[sflag:s18] =	ssyncadd.s32 $0xFFFFF000  }
0x5d: {  	[hbm4b:s21+s19] =	stream.strided.scatter [tilespmem:s4], [sflag:$0x7], $0x4000, s7, s19, $0x38;
	[tilespmem:$0x14C00] =	vst v63  }
0x5e: {  	_ =	swait.ge [sflag:s20], $0x1000  }
0x5f: {  	[sflag:s20] =	ssyncset.done $0x0  }
0x60: {  	[sflag:s20] =	ssyncadd.s32 $0xFFFFF000  }
0x61: {  	_ =	swait.ge [sflag:s20], $0x1000  }
0x62: {  	[sflag:s20] =	ssyncset.done $0x0  }
0x63: {  	[sflag:s20] =	ssyncadd.s32 $0xFFFFF000  }
0x64: {  	_ =	swait.ge [sflag:s20], $0x1000  }
0x65: {  	[sflag:s20] =	ssyncset.done $0x0  }
0x66: {  	[sflag:s20] =	ssyncadd.s32 $0xFFFFF000  }
0x67: {  	_ =	swait.ge [sflag:s20], $0x1000  }
0x68: {  	[sflag:s20] =	ssyncset.done $0x0  }
0x69: {  	s21 =	simm.s32 $0x3;
	s22 =	rddreg [dreg:$0x5];
	[sflag:s20] =	ssyncadd.s32 $0xFFFFF000  }
0x6a: {  	[hbm4b:s22+s19] =	stream.strided.scatter [tilespmem:s0], [sflag:$0x8], $0x4000, s7, s19, $0x38;
	[tilespmem:$0x14C00] =	vst v63  }
0x6b: {  	_ =	swait.ge [sflag:s21], $0x1800  }
0x6c: {  	[sflag:s21] =	ssyncset.done $0x0  }
0x6d: {  	[sflag:s21] =	ssyncadd.s32 $0xFFFFE800  }
0x6e: {  	_ =	swait.ge [sflag:s21], $0x1800  }
0x6f: {  	[sflag:s21] =	ssyncset.done $0x0  }
0x70: {  	[sflag:s21] =	ssyncadd.s32 $0xFFFFE800  }
0x71: {  	_ =	swait.ge [sflag:s21], $0x1800  }
0x72: {  	[sflag:s21] =	ssyncset.done $0x0  }
0x73: {  	[sflag:s21] =	ssyncadd.s32 $0xFFFFE800  }
0x74: {  	_ =	swait.ge [sflag:s21], $0x1800  }
0x75: {  	[sflag:s21] =	ssyncset.done $0x0  }
0x76: {  	s22 =	simm.s32 $0x30;
	s23 =	rddreg [dreg:$0x6];
	[sflag:s21] =	ssyncadd.s32 $0xFFFFE800  }
0x77: {  	[hbm4b:s23+s22] =	stream.strided.scatter [tilespmem:s10], [sflag:$0x9], $0x6000, s7, s22, $0x38;
	[tilespmem:$0x14C00] =	vst v63  }
0x78: {  	s23 =	simm.s32 $0x9  }
0x79: {  	_ =	swait.ge [sflag:s23], $0x6000  }
0x7a: {  	s25 =	rddreg [dreg:$0x1e];
	[sflag:s23] =	ssyncset.done $0x0  }
0x7b: {  	s24 =	sadd.s32 $0xE00, s24;
	s26 =	rddreg [dreg:$0x1f];
	[sflag:s23] =	ssyncadd.s32 $0xFFFFA000  }
0x7c: {  	[tilespmem:s10], [sflag:$0x5] =	stream.indirect.gather [hbm4b:s24+s7], $0x30, s25, s7, $0xb8;
	[tilespmem:$0x14C00] =	vst v63  }
0x7d: {  	s4 =	sld [smem:$0x7F8]  }
0x7e: {  	[tilespmem:s3], [sflag:$0x5] =	stream.indirect.gather [hbm4b:s24+s7], $0x30, s26, s7, $0xb8;
	[tilespmem:$0x14C00] =	vst v63  }
0x7f: {  	s12 =	sld [smem:$0x7F9]  }
0x80: {  	[tilespmem:s8], [sflag:$0x5] =	stream.indirect.gather [hbm4b:s24+s7], $0x30, s4, s7, $0xb8;
	[tilespmem:$0x14C00] =	vst v63  }
0x81: {  	s25 =	simm.s32 $0x4  }
0x82: {  	[tilespmem:s11], [sflag:$0x5] =	stream.indirect.gather [hbm4b:s24+s7], $0x30, s12, s7, $0xb8;
	[tilespmem:$0x14C00] =	vst v63  }
0x83: {  	_ =	swait.ge [sflag:s25], $0x1800  }
0x84: {  	[sflag:s25] =	ssyncset.done $0x0  }
0x85: {  	[sflag:s25] =	ssyncadd.s32 $0xFFFFE800  }
0x86: {  	_ =	swait.ge [sflag:s25], $0x1800  }
0x87: {  	[sflag:s25] =	ssyncset.done $0x0  }
0x88: {  	[sflag:s25] =	ssyncadd.s32 $0xFFFFE800  }
0x89: {  	_ =	swait.ge [sflag:s25], $0x1800  }
0x8a: {  	[sflag:s25] =	ssyncset.done $0x0  }
0x8b: {  	[sflag:s25] =	ssyncadd.s32 $0xFFFFE800  }
0x8c: {  	_ =	swait.ge [sflag:s25], $0x1800  }
0x8d: {  	[sflag:s25] =	ssyncset.done $0x0  }
0x8e: {  	s26 =	simm.s32 $0xA;
	s13 =	rddreg [dreg:$0x7];
	[sflag:s25] =	ssyncadd.s32 $0xFFFFE800  }
0x8f: {  	[hbm4b:s13+s22] =	stream.strided.scatter [tilespmem:s14], [sflag:$0xA], $0x6000, s7, s22, $0x38;
	[tilespmem:$0x14C00] =	vst v63  }
0x90: {  	_ =	swait.ge [sflag:s26], $0x6000  }
0x91: {  	s28 =	sld [smem:$0x7FA]  }
0x92: {  	[sflag:s26] =	ssyncset.done $0x0  }
0x93: {  	s29 =	sld [smem:$0x7FB];
	[sflag:s26] =	ssyncadd.s32 $0xFFFFA000  }
0x94: {  	[tilespmem:s14], [sflag:$0x6] =	stream.indirect.gather [hbm4b:s24+s7], $0x30, s28, s7, $0xb8;
	[tilespmem:$0x14C00] =	vst v63  }
0x95: {  	s28 =	sld [smem:$0x7FC]  }
0x96: {  	[tilespmem:s15], [sflag:$0x6] =	stream.indirect.gather [hbm4b:s24+s7], $0x30, s29, s7, $0xb8;
	[tilespmem:$0x14C00] =	vst v63  }
0x97: {  	s29 =	sld [smem:$0x7FD]  }
0x98: {  	[tilespmem:s16], [sflag:$0x6] =	stream.indirect.gather [hbm4b:s24+s7], $0x30, s28, s7, $0xb8;
	[tilespmem:$0x14C00] =	vst v63  }
0x99: {  	s28 =	simm.s32 $0x5  }
0x9a: {  	[tilespmem:s17], [sflag:$0x6] =	stream.indirect.gather [hbm4b:s24+s7], $0x30, s29, s7, $0xb8;
	[tilespmem:$0x14C00] =	vst v63  }
0x9b: {  	_ =	swait.ge [sflag:s28], $0x1800  }
0x9c: {  	[sflag:s28] =	ssyncset.done $0x0  }
0x9d: {  	[sflag:s28] =	ssyncadd.s32 $0xFFFFE800  }
0x9e: {  	_ =	swait.ge [sflag:s28], $0x1800  }
0x9f: {  	[sflag:s28] =	ssyncset.done $0x0  }
0xa0: {  	[sflag:s28] =	ssyncadd.s32 $0xFFFFE800  }
0xa1: {  	_ =	swait.ge [sflag:s28], $0x1800  }
0xa2: {  	[sflag:s28] =	ssyncset.done $0x0  }
0xa3: {  	[sflag:s28] =	ssyncadd.s32 $0xFFFFE800  }
0xa4: {  	_ =	swait.ge [sflag:s28], $0x1800  }
0xa5: {  	[sflag:s28] =	ssyncset.done $0x0  }
0xa6: {  	s29 =	rddreg [dreg:$0x8];
	[sflag:s28] =	ssyncadd.s32 $0xFFFFE800  }
0xa7: {  	[hbm4b:s29+s22] =	stream.strided.scatter [tilespmem:s10], [sflag:$0x9], $0x6000, s7, s22, $0x38;
	[tilespmem:$0x14C00] =	vst v63  }
0xa8: {  	s29 =	simm.s32 $0x6  }
0xa9: {  	_ =	swait.ge [sflag:s29], $0x1800  }
0xaa: {  	[sflag:s29] =	ssyncset.done $0x0  }
0xab: {  	[sflag:s29] =	ssyncadd.s32 $0xFFFFE800  }
0xac: {  	_ =	swait.ge [sflag:s29], $0x1800  }
0xad: {  	[sflag:s29] =	ssyncset.done $0x0  }
0xae: {  	[sflag:s29] =	ssyncadd.s32 $0xFFFFE800  }
0xaf: {  	_ =	swait.ge [sflag:s29], $0x1800  }
0xb0: {  	[sflag:s29] =	ssyncset.done $0x0  }
0xb1: {  	[sflag:s29] =	ssyncadd.s32 $0xFFFFE800  }
0xb2: {  	_ =	swait.ge [sflag:s29], $0x1800  }
0xb3: {  	s1 =	ssub.s32 $0x2, s1;
	[sflag:s29] =	ssyncset.done $0x0  }
0xb4: {  	s15 =	sshrl.u32 s1, $0x1;
	s30 =	rddreg [dreg:$0x9];
	[sflag:s29] =	ssyncadd.s32 $0xFFFFE800  }
0xb5: {  	[hbm4b:s30+s22] =	stream.strided.scatter [tilespmem:s14], [sflag:$0xA], $0x6000, s7, s22, $0x38;
	[tilespmem:$0x14C00] =	vst v63  }
0xb6: {  	s0 =	ssub.s32 s1, s15;
	s30 =	simm.s32 $0x7  }
0xb7: {  	s0 =	smax.u32 s0, $0x1;
	_ =	swait.ge [sflag:s30], $0x4000  }
0xb8: {  	p0 =	sne.s32 s0, $0x1;
	[sflag:s30] =	ssyncset.done $0x0  }
.Ltmp0:
0xb9: {  	s31 =	simm.s32 $0x8;
	[sflag:s30] =	ssyncadd.s32 $0xFFFFC000;
	(pc) =	sbr.rel @!p0 .LBB2_3-.Ltmp0, $4  }
0xba: {  	_ =	swait.ge [sflag:s31], $0x4000  }
0xbb: {  	[sflag:s31] =	ssyncset.done $0x0  }
0xbc: {  	[sflag:s31] =	ssyncadd.s32 $0xFFFFC000  }
0xbd: {  	s1 =	sadd.s32 $0xFFFFFFFF, s0;
	_ =	swait.ge [sflag:s23], $0x6000  }
0xbe: {  	s13 =	simm.s32 $0x400;
	s15 =	simm.s32 $0xC00  }
.LBB2_2:
0xbf: {  	[sflag:s23] =	ssyncset.done $0x0  }
0xc0: {  	[sflag:s23] =	ssyncadd.s32 $0xFFFFA000  }
0xc1: {  	_ =	swait.ge [sflag:s26], $0x6000  }
0xc2: {  	s0 =	rddreg [dreg:$0x3];
	[sflag:s26] =	ssyncset.done $0x0  }
0xc3: {  	s12 =	simm.s32 $0x0;
	s3 =	rddreg [dreg:$0xa];
	[sflag:s26] =	ssyncadd.s32 $0xFFFFA000  }
0xc4: {  	[tilespmem:s12], [sflag:$0xB] =	stream.strided.gather [hbm4b:s0+s13], $0xC00, s3, s13, $0x38;
	[tilespmem:$0x14C00] =	vst v63  }
0xc5: {  	_ =	swait.ge [sflag:s5], $0xC00  }
0xc6: {  	s0 =	rddreg [dreg:$0x16]  }
0xc7: {  	s3 =	rddreg [dreg:$0x14]  }
0xc8: {  	s4 =	rddreg [dreg:$0x10]  }
0xc9: {  	[sflag:s5] =	ssyncset.done $0x0;
	s8 =	rddreg [dreg:$0xc]  }
0xca: {  	s9 =	rddreg [dreg:$0xd];
	[sflag:s5] =	ssyncadd.s32 $0xFFFFF400  }
0xcb: {  	[tilespmem:s15], [sflag:$0x1] =	stream.indirect.gather [hbm4b:s6+s7], $0x20, s12, s7, $0xb8;
	[tilespmem:$0x14C00] =	vst v63  }
0xcc: {  	s11 =	rddreg [dreg:$0xb]  }
0xcd: {  	[tilespmem:s11], [sflag:$0x1] =	stream.indirect.gather [hbm4b:s6+s7], $0x20, s7, s7, $0xb8;
	[tilespmem:$0x14C00] =	vst v63  }
0xce: {  	s12 =	rddreg [dreg:$0xf]  }
0xcf: {  	[tilespmem:s9], [sflag:$0x1] =	stream.indirect.gather [hbm4b:s6+s7], $0x20, s8, s7, $0xb8;
	[tilespmem:$0x14C00] =	vst v63  }
0xd0: {  	s11 =	rddreg [dreg:$0xe]  }
0xd1: {  	[tilespmem:s12], [sflag:$0x1] =	stream.indirect.gather [hbm4b:s6+s7], $0x20, s11, s7, $0xb8;
	[tilespmem:$0x14C00] =	vst v63  }
0xd2: {  	s9 =	rddreg [dreg:$0x12];
	s11 =	simm.s32 $0x4C00  }
0xd3: {  	[tilespmem:s11], [sflag:$0x2] =	stream.indirect.gather [hbm4b:s6+s7], $0x20, s4, s7, $0xb8;
	[tilespmem:$0x14C00] =	vst v63  }
0xd4: {  	s12 =	rddreg [dreg:$0x11]  }
0xd5: {  	[tilespmem:s9], [sflag:$0x2] =	stream.indirect.gather [hbm4b:s6+s7], $0x20, s12, s7, $0xb8;
	[tilespmem:$0x14C00] =	vst v63  }
0xd6: {  	s4 =	rddreg [dreg:$0x13]  }
0xd7: {  	[tilespmem:s3], [sflag:$0x2] =	stream.indirect.gather [hbm4b:s6+s7], $0x20, s4, s7, $0xb8;
	[tilespmem:$0x14C00] =	vst v63  }
0xd8: {  	s12 =	rddreg [dreg:$0x15]  }
0xd9: {  	[tilespmem:s0], [sflag:$0x2] =	stream.indirect.gather [hbm4b:s6+s7], $0x20, s12, s7, $0xb8;
	[tilespmem:$0x14C00] =	vst v63  }
0xda: {  	_ = 	snop  }
0xdb: {  	[tilespmem:s10], [sflag:$0x3] =	stream.indirect.gather [hbm4b:s2+s7], $0x30, s13, s7, $0xb8;
	[tilespmem:$0x14C00] =	vst v63  }
0xdc: {  	s8 =	rddreg [dreg:$0x17];
	s4 =	simm.s32 $0xA400  }
0xdd: {  	[tilespmem:s4], [sflag:$0x3] =	stream.indirect.gather [hbm4b:s2+s7], $0x30, s8, s7, $0xb8;
	[tilespmem:$0x14C00] =	vst v63  }
0xde: {  	s9 =	rddreg [dreg:$0x18];
	s8 =	simm.s32 $0xBC00  }
0xdf: {  	[tilespmem:s8], [sflag:$0x3] =	stream.indirect.gather [hbm4b:s2+s7], $0x30, s9, s7, $0xb8;
	[tilespmem:$0x14C00] =	vst v63  }
0xe0: {  	s0 =	rddreg [dreg:$0x19];
	s9 =	simm.s32 $0xD400  }
0xe1: {  	[tilespmem:s9], [sflag:$0x3] =	stream.indirect.gather [hbm4b:s2+s7], $0x30, s0, s7, $0xb8;
	[tilespmem:$0x14C00] =	vst v63  }
0xe2: {  	s12 =	rddreg [dreg:$0x1a]  }
0xe3: {  	[tilespmem:s14], [sflag:$0x4] =	stream.indirect.gather [hbm4b:s2+s7], $0x30, s12, s7, $0xb8;
	[tilespmem:$0x14C00] =	vst v63  }
0xe4: {  	s0 =	rddreg [dreg:$0x1b];
	s12 =	simm.s32 $0x10400  }
0xe5: {  	[tilespmem:s12], [sflag:$0x4] =	stream.indirect.gather [hbm4b:s2+s7], $0x30, s0, s7, $0xb8;
	[tilespmem:$0x14C00] =	vst v63  }
0xe6: {  	s3 =	rddreg [dreg:$0x1c]  }
0xe7: {  	[tilespmem:s16], [sflag:$0x4] =	stream.indirect.gather [hbm4b:s2+s7], $0x30, s3, s7, $0xb8;
	[tilespmem:$0x14C00] =	vst v63  }
0xe8: {  	s0 =	rddreg [dreg:$0x1d]  }
0xe9: {  	[tilespmem:s17], [sflag:$0x4] =	stream.indirect.gather [hbm4b:s2+s7], $0x30, s0, s7, $0xb8;
	[tilespmem:$0x14C00] =	vst v63  }
0xea: {  	_ =	swait.ge [sflag:s18], $0x1000  }
0xeb: {  	[sflag:s18] =	ssyncset.done $0x0  }
0xec: {  	[sflag:s18] =	ssyncadd.s32 $0xFFFFF000  }
0xed: {  	_ =	swait.ge [sflag:s18], $0x1000  }
0xee: {  	[sflag:s18] =	ssyncset.done $0x0  }
0xef: {  	[sflag:s18] =	ssyncadd.s32 $0xFFFFF000  }
0xf0: {  	_ =	swait.ge [sflag:s18], $0x1000  }
0xf1: {  	[sflag:s18] =	ssyncset.done $0x0  }
0xf2: {  	[sflag:s18] =	ssyncadd.s32 $0xFFFFF000  }
0xf3: {  	_ =	swait.ge [sflag:s18], $0x1000  }
0xf4: {  	[sflag:s18] =	ssyncset.done $0x0  }
0xf5: {  	s3 =	rddreg [dreg:$0x4];
	[sflag:s18] =	ssyncadd.s32 $0xFFFFF000  }
0xf6: {  	[hbm4b:s3+s19] =	stream.strided.scatter [tilespmem:s15], [sflag:$0x7], $0x4000, s7, s19, $0x38;
	[tilespmem:$0x14C00] =	vst v63  }
0xf7: {  	_ =	swait.ge [sflag:s20], $0x1000  }
0xf8: {  	[sflag:s20] =	ssyncset.done $0x0  }
0xf9: {  	[sflag:s20] =	ssyncadd.s32 $0xFFFFF000  }
0xfa: {  	_ =	swait.ge [sflag:s20], $0x1000  }
0xfb: {  	[sflag:s20] =	ssyncset.done $0x0  }
0xfc: {  	[sflag:s20] =	ssyncadd.s32 $0xFFFFF000  }
0xfd: {  	_ =	swait.ge [sflag:s20], $0x1000  }
0xfe: {  	[sflag:s20] =	ssyncset.done $0x0  }
0xff: {  	[sflag:s20] =	ssyncadd.s32 $0xFFFFF000  }
0x100: {  	_ =	swait.ge [sflag:s20], $0x1000  }
0x101: {  	[sflag:s20] =	ssyncset.done $0x0  }
0x102: {  	s3 =	rddreg [dreg:$0x5];
	[sflag:s20] =	ssyncadd.s32 $0xFFFFF000  }
0x103: {  	[hbm4b:s3+s19] =	stream.strided.scatter [tilespmem:s11], [sflag:$0x8], $0x4000, s7, s19, $0x38;
	[tilespmem:$0x14C00] =	vst v63  }
0x104: {  	_ =	swait.ge [sflag:s21], $0x1800  }
0x105: {  	[sflag:s21] =	ssyncset.done $0x0  }
0x106: {  	[sflag:s21] =	ssyncadd.s32 $0xFFFFE800  }
0x107: {  	_ =	swait.ge [sflag:s21], $0x1800  }
0x108: {  	[sflag:s21] =	ssyncset.done $0x0  }
0x109: {  	[sflag:s21] =	ssyncadd.s32 $0xFFFFE800  }
0x10a: {  	_ =	swait.ge [sflag:s21], $0x1800  }
0x10b: {  	[sflag:s21] =	ssyncset.done $0x0  }
0x10c: {  	[sflag:s21] =	ssyncadd.s32 $0xFFFFE800  }
0x10d: {  	_ =	swait.ge [sflag:s21], $0x1800  }
0x10e: {  	[sflag:s21] =	ssyncset.done $0x0  }
0x10f: {  	s3 =	rddreg [dreg:$0x6];
	[sflag:s21] =	ssyncadd.s32 $0xFFFFE800  }
0x110: {  	[hbm4b:s3+s22] =	stream.strided.scatter [tilespmem:s10], [sflag:$0x9], $0x6000, s7, s22, $0x38;
	[tilespmem:$0x14C00] =	vst v63  }
0x111: {  	_ =	swait.ge [sflag:s23], $0x6000  }
0x112: {  	s11 =	rddreg [dreg:$0x1e];
	[sflag:s23] =	ssyncset.done $0x0  }
0x113: {  	s3 =	rddreg [dreg:$0x1f];
	[sflag:s23] =	ssyncadd.s32 $0xFFFFA000  }
0x114: {  	[tilespmem:s10], [sflag:$0x5] =	stream.indirect.gather [hbm4b:s24+s7], $0x30, s11, s7, $0xb8;
	[tilespmem:$0x14C00] =	vst v63  }
0x115: {  	s11 =	sld [smem:$0x7F8]  }
0x116: {  	[tilespmem:s4], [sflag:$0x5] =	stream.indirect.gather [hbm4b:s24+s7], $0x30, s3, s7, $0xb8;
	[tilespmem:$0x14C00] =	vst v63  }
0x117: {  	s4 =	sld [smem:$0x7F9]  }
0x118: {  	[tilespmem:s8], [sflag:$0x5] =	stream.indirect.gather [hbm4b:s24+s7], $0x30, s11, s7, $0xb8;
	[tilespmem:$0x14C00] =	vst v63  }
0x119: {  	_ = 	snop  }
0x11a: {  	[tilespmem:s9], [sflag:$0x5] =	stream.indirect.gather [hbm4b:s24+s7], $0x30, s4, s7, $0xb8;
	[tilespmem:$0x14C00] =	vst v63  }
0x11b: {  	_ =	swait.ge [sflag:s25], $0x1800  }
0x11c: {  	[sflag:s25] =	ssyncset.done $0x0  }
0x11d: {  	[sflag:s25] =	ssyncadd.s32 $0xFFFFE800  }
0x11e: {  	_ =	swait.ge [sflag:s25], $0x1800  }
0x11f: {  	[sflag:s25] =	ssyncset.done $0x0  }
0x120: {  	[sflag:s25] =	ssyncadd.s32 $0xFFFFE800  }
0x121: {  	_ =	swait.ge [sflag:s25], $0x1800  }
0x122: {  	[sflag:s25] =	ssyncset.done $0x0  }
0x123: {  	[sflag:s25] =	ssyncadd.s32 $0xFFFFE800  }
0x124: {  	_ =	swait.ge [sflag:s25], $0x1800  }
0x125: {  	[sflag:s25] =	ssyncset.done $0x0  }
0x126: {  	s11 =	rddreg [dreg:$0x7];
	[sflag:s25] =	ssyncadd.s32 $0xFFFFE800  }
0x127: {  	[hbm4b:s11+s22] =	stream.strided.scatter [tilespmem:s14], [sflag:$0xA], $0x6000, s7, s22, $0x38;
	[tilespmem:$0x14C00] =	vst v63  }
0x128: {  	_ =	swait.ge [sflag:s26], $0x6000  }
0x129: {  	s3 =	sld [smem:$0x7FA]  }
0x12a: {  	[sflag:s26] =	ssyncset.done $0x0  }
0x12b: {  	s4 =	sld [smem:$0x7FB];
	[sflag:s26] =	ssyncadd.s32 $0xFFFFA000  }
0x12c: {  	[tilespmem:s14], [sflag:$0x6] =	stream.indirect.gather [hbm4b:s24+s7], $0x30, s3, s7, $0xb8;
	[tilespmem:$0x14C00] =	vst v63  }
0x12d: {  	s8 =	sld [smem:$0x7FC]  }
0x12e: {  	[tilespmem:s12], [sflag:$0x6] =	stream.indirect.gather [hbm4b:s24+s7], $0x30, s4, s7, $0xb8;
	[tilespmem:$0x14C00] =	vst v63  }
0x12f: {  	s9 =	sld [smem:$0x7FD]  }
0x130: {  	[tilespmem:s16], [sflag:$0x6] =	stream.indirect.gather [hbm4b:s24+s7], $0x30, s8, s7, $0xb8;
	[tilespmem:$0x14C00] =	vst v63  }
0x131: {  	_ = 	snop  }
0x132: {  	[tilespmem:s17], [sflag:$0x6] =	stream.indirect.gather [hbm4b:s24+s7], $0x30, s9, s7, $0xb8;
	[tilespmem:$0x14C00] =	vst v63  }
0x133: {  	_ =	swait.ge [sflag:s28], $0x1800  }
0x134: {  	[sflag:s28] =	ssyncset.done $0x0  }
0x135: {  	[sflag:s28] =	ssyncadd.s32 $0xFFFFE800  }
0x136: {  	_ =	swait.ge [sflag:s28], $0x1800  }
0x137: {  	[sflag:s28] =	ssyncset.done $0x0  }
0x138: {  	[sflag:s28] =	ssyncadd.s32 $0xFFFFE800  }
0x139: {  	_ =	swait.ge [sflag:s28], $0x1800  }
0x13a: {  	[sflag:s28] =	ssyncset.done $0x0  }
0x13b: {  	[sflag:s28] =	ssyncadd.s32 $0xFFFFE800  }
0x13c: {  	_ =	swait.ge [sflag:s28], $0x1800  }
0x13d: {  	[sflag:s28] =	ssyncset.done $0x0  }
0x13e: {  	s11 =	rddreg [dreg:$0x8];
	[sflag:s28] =	ssyncadd.s32 $0xFFFFE800  }
0x13f: {  	[hbm4b:s11+s22] =	stream.strided.scatter [tilespmem:s10], [sflag:$0x9], $0x6000, s7, s22, $0x38;
	[tilespmem:$0x14C00] =	vst v63  }
0x140: {  	_ =	swait.ge [sflag:s29], $0x1800  }
0x141: {  	[sflag:s29] =	ssyncset.done $0x0  }
0x142: {  	[sflag:s29] =	ssyncadd.s32 $0xFFFFE800  }
0x143: {  	_ =	swait.ge [sflag:s29], $0x1800  }
0x144: {  	[sflag:s29] =	ssyncset.done $0x0  }
0x145: {  	[sflag:s29] =	ssyncadd.s32 $0xFFFFE800  }
0x146: {  	_ =	swait.ge [sflag:s29], $0x1800  }
0x147: {  	[sflag:s29] =	ssyncset.done $0x0  }
0x148: {  	[sflag:s29] =	ssyncadd.s32 $0xFFFFE800  }
0x149: {  	_ =	swait.ge [sflag:s29], $0x1800  }
0x14a: {  	[sflag:s29] =	ssyncset.done $0x0  }
0x14b: {  	s12 =	rddreg [dreg:$0x9];
	[sflag:s29] =	ssyncadd.s32 $0xFFFFE800  }
0x14c: {  	[hbm4b:s12+s22] =	stream.strided.scatter [tilespmem:s14], [sflag:$0xA], $0x6000, s7, s22, $0x38;
	[tilespmem:$0x14C00] =	vst v63  }
0x14d: {  	_ =	swait.ge [sflag:s30], $0x4000  }
0x14e: {  	p0 =	sne.s32 s1, $0x1;
	[sflag:s30] =	ssyncset.done $0x0  }
.Ltmp1:
0x14f: {  	[sflag:s30] =	ssyncadd.s32 $0xFFFFC000;
	(pc) =	sbr.rel @p0 .LBB2_2-.Ltmp1, $4  }
0x150: {  	_ =	swait.ge [sflag:s31], $0x4000  }
0x151: {  	[sflag:s31] =	ssyncset.done $0x0  }
0x152: {  	[sflag:s31] =	ssyncadd.s32 $0xFFFFC000  }
0x153: {  	s1 =	sadd.s32 $0xFFFFFFFF, s1;
	_ =	swait.ge [sflag:s23], $0x6000  }
.LBB2_3:
0x154: {  	[sflag:s23] =	ssyncset.done $0x0  }
0x155: {  	[sflag:s23] =	ssyncadd.s32 $0xFFFFA000  }
0x156: {  	_ =	swait.ge [sflag:s26], $0x6000  }
0x157: {  	[sflag:s26] =	ssyncset.done $0x0  }
0x158: {  	[sflag:s26] =	ssyncadd.s32 $0xFFFFA000  }
0x159: {  	_ =	sfence.sel $0x180000  }
0x15a: {  	[bflag:$0x0] =	sbarrier.arrive $0xFFFF  }
0x15b: {  	_ =	strace $0x90000047  }
0x15c: {  	s0 =	stileid.u32;
	[bflag:$0x2] =	sbarrier.arrive $0xFFFF  }
0x15d: {  	p0 =	sne.s32 s0, $0x0;
	s0 =	rddreg [dreg:$0x2]  }
0x15e: {  	s0 =	sadd.s32 @!p0 $0x100000, s0  }
0x15f: {  	[sflag:s0] =	ssyncadd.tile.s32 @!p0 $0x1;
	_ =	shalt  }
.Lfunc_end2:
_tile_overlayer_lowered:
.L_overlay_start_2:
0x160: {  	(tag) =	ssettag $0x2  }
0x161: {  	s0 =	rddreg [dreg:$0x0];
	s2 =	stileid.u32  }
0x162: {  	s1 =	rddreg [dreg:$0x1];
	p0 =	sne.s32 s2, $0x0  }
0x163: {  	s3 =	rddreg [dreg:$0x2];
	[bflag:$0x3] =	sbarrier.arrive $0xFFFF;
	s2 =	simm.s32 @!p0 $0x1C0B  }
0x164: {  	[timem:s3], [sflag:s2] =	dma.local @!p0 [hbm:s0], s1  }
0x165: {  	s0 =	simm.s32 @!p0 $0xB  }
0x166: {  	_ =	swait.ge @!p0 [sflag:s0], s1  }
0x167: {  	s1 =	ssub.s32 @!p0 $0x0, s1;
	[sflag:s0] =	ssyncset.done @!p0 $0x0  }
0x168: {  	[sflag:s0] =	ssyncadd.s32 @!p0 s1  }
0x169: {  	[bflag:$0x3] =	sbarrier.arrive $0xFFFF  }
0x16a: {  	_ =	shalt  }

</sc_bundles>
